<compile_context>
chip_gen: v7x
topology: tpu7x:2x2x1
jax: 0.10.2.dev20260603
libtpu: 0.0.44.dev20260713+nightly
codegen_flags: <defaults>
</compile_context>

<pallas_src>
import jax
import jax.numpy as jnp
from jax import lax
from jax.experimental import pallas as pl
from jax.experimental.pallas import tpu as pltpu

_NUM_LABELS = 81
_POS_K = 64
_NEG_K = 192
_TILE = 2000


def _iou_gather_kernel(roi_ref, gtt_ref, gtl_ref, rp_ref, rn_ref,
                       mp_ref, mn_ref, pack_ref):
    r = roi_ref[0, 0]
    by1 = r[:, 0:1]
    bx1 = r[:, 1:2]
    by2 = r[:, 2:3]
    bx2 = r[:, 3:4]
    g = gtt_ref[0]
    gy1 = g[0:1, :]
    gx1 = g[1:2, :]
    gy2 = g[2:3, :]
    gx2 = g[3:4, :]
    x_top = jnp.maximum(bx1, gx1)
    y_top = jnp.maximum(by1, gy1)
    x_bot = jnp.minimum(bx2, gx2)
    y_bot = jnp.minimum(by2, gy2)
    inter = jnp.maximum(x_bot - x_top, 0.0) * jnp.maximum(y_bot - y_top, 0.0)
    barea = (by2 - by1) * (bx2 - bx1)
    iou = inter / (barea - inter)
    m = iou.shape[1]
    mx = jnp.max(iou, axis=1, keepdims=True)
    eqm = iou == mx
    i0 = lax.broadcasted_iota(jnp.int32, iou.shape, 1)
    am = jnp.min(jnp.where(eqm, i0, m), axis=1, keepdims=True)
    onehot = (i0 == am).astype(jnp.float32)
    lab = jnp.sum(onehot * gtl_ref[0], axis=1, keepdims=True)
    gby1 = jnp.sum(onehot * gy1, axis=1, keepdims=True)
    gbx1 = jnp.sum(onehot * gx1, axis=1, keepdims=True)
    gby2 = jnp.sum(onehot * gy2, axis=1, keepdims=True)
    gbx2 = jnp.sum(onehot * gx2, axis=1, keepdims=True)
    pos_c = mx > 0.5
    neg_c = jnp.logical_and(mx < 0.5, mx > 0.1)
    mp_ref[0, 0] = jnp.where(pos_c, rp_ref[0, 0], 0)
    mn_ref[0, 0] = jnp.where(neg_c, rn_ref[0, 0], 0)
    pack_ref[0, 0] = jnp.concatenate([lab, gby1, gbx1, gby2, gbx2], axis=1)


def _select_thresholds(mfull, gidx, k_sel, hi0, n):

    def cnt_gt(t):
        return jnp.sum((mfull > t).astype(jnp.int32))

    def body_t(_, c):
        lo, hi = c
        mid = (lo + hi) // 2
        pred = cnt_gt(mid) < k_sel
        return (jnp.where(pred, lo, mid + 1), jnp.where(pred, mid, hi))

    lo, _ = lax.fori_loop(0, 11, body_t, (jnp.int32(0), jnp.int32(hi0)))
    t_val = lo
    need = k_sel - cnt_gt(t_val)
    eq = mfull == t_val

    def cnt_eq_lt(i):
        return jnp.sum(jnp.where(jnp.logical_and(eq, gidx < i), 1, 0))

    def body_i(_, c):
        lo2, hi2 = c
        mid = (lo2 + hi2) // 2
        pred = cnt_eq_lt(mid) >= need
        return (jnp.where(pred, lo2, mid + 1), jnp.where(pred, mid, hi2))

    lo2, _ = lax.fori_loop(0, 15, body_i, (jnp.int32(0), jnp.int32(n)))
    return t_val, lo2


def _threshold_kernel(mpf_ref, mnf_ref, thr_ref):
    mpf = mpf_ref[0]
    mnf = mnf_ref[0]
    nt, _, tile = mpf.shape
    n = nt * tile
    gidx = (lax.broadcasted_iota(jnp.int32, mpf.shape, 0) * tile
            + lax.broadcasted_iota(jnp.int32, mpf.shape, 2))
    t_p, i_p = _select_thresholds(mpf, gidx, _POS_K, _POS_K * 10 - 1, n)
    t_n, i_n = _select_thresholds(mnf, gidx, _NEG_K, _NEG_K * 10 - 1, n)
    i32 = jnp.int32
    thr_ref[0] = jnp.concatenate(
        [jnp.full((1, 1), t_p, i32), jnp.full((1, 1), i_p, i32),
         jnp.full((1, 1), t_n, i32), jnp.full((1, 1), i_n, i32)], axis=1)


def _assign_kernel(roi_ref, mp_ref, mn_ref, pack_ref, thr_ref,
                   lout_ref, dout_ref):
    k = pl.program_id(1)
    thr = thr_ref[0]
    t_p = thr[0:1, 0:1]
    i_p = thr[0:1, 1:2]
    t_n = thr[0:1, 2:3]
    i_n = thr[0:1, 3:4]
    mp = mp_ref[0, 0]
    mn = mn_ref[0, 0]
    tile = mp.shape[0]
    gidx = k * tile + lax.broadcasted_iota(jnp.int32, (tile, 1), 0)
    sel_p = (mp > t_p) & (mp > 0) | ((mp == t_p) & (gidx < i_p) & (mp > 0))
    sel_n = (mn > t_n) & (mn > 0) | ((mn == t_n) & (gidx < i_n) & (mn > 0))
    pack = pack_ref[0, 0]
    lbl = jnp.where(sel_p, pack[:, 0:1], jnp.where(sel_n, 0.0, -1.0))
    i81 = lax.broadcasted_iota(jnp.int32, (tile, _NUM_LABELS), 1)
    lout_ref[0] = (i81.astype(jnp.float32) == lbl).astype(jnp.float32)

    r = roi_ref[0, 0]
    w = r[:, 3:4] - r[:, 1:2]
    h = r[:, 2:3] - r[:, 0:1]
    cx = r[:, 1:2] + 0.5 * w
    cy = r[:, 0:1] + 0.5 * h
    egt = jnp.where(sel_p, pack[:, 1:5], 0.0)
    gw = egt[:, 3:4] - egt[:, 1:2]
    gh = egt[:, 2:3] - egt[:, 0:1]
    gcx = egt[:, 1:2] + 0.5 * gw
    gcy = egt[:, 0:1] + 0.5 * gh
    ws = jnp.where(w == 0, 0.001, w)
    hs = jnp.where(h == 0, 0.001, h)
    gws = jnp.where(gw == 0, 1.0, gw)
    ghs = jnp.where(gh == 0, 1.0, gh)
    zero = jnp.zeros_like(gw)
    d_x = jnp.where(gw == 0, zero, (gcx - cx) / ws)
    d_y = jnp.where(gh == 0, zero, (gcy - cy) / hs)
    d_w = jnp.where(gw == 0, zero, jnp.log(gws / ws))
    d_h = jnp.where(gh == 0, zero, jnp.log(ghs / hs))
    i324 = lax.broadcasted_iota(jnp.int32, (tile, _NUM_LABELS * 4), 1)
    j4 = i324 % 4
    dfull = jnp.where(j4 == 0, d_y,
                      jnp.where(j4 == 1, d_x,
                                jnp.where(j4 == 2, d_h, d_w)))
    cls = (i324 // 4).astype(jnp.float32)
    dout_ref[0] = jnp.where(cls == lbl, dfull, 0.0)


def kernel(roi_bboxes, gt_boxes, gt_labels):
    b, n, _ = roi_bboxes.shape
    m = gt_boxes.shape[1]
    tile = _TILE
    nt = n // tile
    f32 = jnp.float32
    i32 = jnp.int32

    kp, kn = jax.random.split(jax.random.key(42))
    r_pos = jax.random.randint(kp, (b, n), 1, _POS_K * 10, dtype=i32)
    r_neg = jax.random.randint(kn, (b, n), 1, _NEG_K * 10, dtype=i32)
    r_pos = r_pos.reshape(b, nt, tile, 1)
    r_neg = r_neg.reshape(b, nt, tile, 1)

    roi_col = roi_bboxes.reshape(b, nt, tile, 4)
    gt_t = gt_boxes.transpose(0, 2, 1)
    gtl_f = gt_labels.astype(f32).reshape(b, 1, m)

    mp, mn, pack = pl.pallas_call(
        _iou_gather_kernel,
        grid=(b, nt),
        in_specs=[
            pl.BlockSpec((1, 1, tile, 4), lambda bi, ki: (bi, ki, 0, 0)),
            pl.BlockSpec((1, 4, m), lambda bi, ki: (bi, 0, 0)),
            pl.BlockSpec((1, 1, m), lambda bi, ki: (bi, 0, 0)),
            pl.BlockSpec((1, 1, tile, 1), lambda bi, ki: (bi, ki, 0, 0)),
            pl.BlockSpec((1, 1, tile, 1), lambda bi, ki: (bi, ki, 0, 0)),
        ],
        out_specs=[
            pl.BlockSpec((1, 1, tile, 1), lambda bi, ki: (bi, ki, 0, 0)),
            pl.BlockSpec((1, 1, tile, 1), lambda bi, ki: (bi, ki, 0, 0)),
            pl.BlockSpec((1, 1, tile, 5), lambda bi, ki: (bi, ki, 0, 0)),
        ],
        out_shape=[
            jax.ShapeDtypeStruct((b, nt, tile, 1), i32),
            jax.ShapeDtypeStruct((b, nt, tile, 1), i32),
            jax.ShapeDtypeStruct((b, nt, tile, 5), f32),
        ],
        compiler_params=pltpu.CompilerParams(
            dimension_semantics=("parallel", "parallel")),
    )(roi_col, gt_t, gtl_f, r_pos, r_neg)

    mp_row = mp.reshape(b, nt, 1, tile)
    mn_row = mn.reshape(b, nt, 1, tile)

    thr = pl.pallas_call(
        _threshold_kernel,
        grid=(b,),
        in_specs=[
            pl.BlockSpec((1, nt, 1, tile), lambda bi: (bi, 0, 0, 0)),
            pl.BlockSpec((1, nt, 1, tile), lambda bi: (bi, 0, 0, 0)),
        ],
        out_specs=pl.BlockSpec((1, 1, 4), lambda bi: (bi, 0, 0)),
        out_shape=jax.ShapeDtypeStruct((b, 1, 4), i32),
        compiler_params=pltpu.CompilerParams(
            dimension_semantics=("arbitrary",)),
    )(mp_row, mn_row)

    labels_out, deltas_flat = pl.pallas_call(
        _assign_kernel,
        grid=(b, nt),
        in_specs=[
            pl.BlockSpec((1, 1, tile, 4), lambda bi, ki: (bi, ki, 0, 0)),
            pl.BlockSpec((1, 1, tile, 1), lambda bi, ki: (bi, ki, 0, 0)),
            pl.BlockSpec((1, 1, tile, 1), lambda bi, ki: (bi, ki, 0, 0)),
            pl.BlockSpec((1, 1, tile, 5), lambda bi, ki: (bi, ki, 0, 0)),
            pl.BlockSpec((1, 1, 4), lambda bi, ki: (bi, 0, 0)),
        ],
        out_specs=[
            pl.BlockSpec((1, tile, _NUM_LABELS), lambda bi, ki: (bi, ki, 0)),
            pl.BlockSpec((1, tile, _NUM_LABELS * 4),
                         lambda bi, ki: (bi, ki, 0)),
        ],
        out_shape=[
            jax.ShapeDtypeStruct((b, n, _NUM_LABELS), f32),
            jax.ShapeDtypeStruct((b, n, _NUM_LABELS * 4), f32),
        ],
        compiler_params=pltpu.CompilerParams(
            dimension_semantics=("parallel", "parallel")),
    )(roi_col, mp, mn, pack, thr)

    deltas = deltas_flat.reshape(b, n, _NUM_LABELS, 4)
    return deltas, labels_out

# --- scband reference (transcript-rebuilt; emitter-appended) ---
"""Pipeline reference for scband-ro-idelta-9148280340846 (READ-ONLY COPY).

The authoritative reference and input builder live on the scoring server;
editing this copy changes nothing except your own understanding.
"""

import jax, jax.numpy as jnp
import numpy as np

TOTAL_LABELS = 81
TOTAL_POS_BBOXES = 64
TOTAL_NEG_BBOXES = 192


def _randomly_select_xyz_mask(mask, select_count, key):
    # JAX port of rpn_utils.randomly_select_xyz_mask: keep at most select_count
    # randomly chosen True entries per batch row.
    maxval = select_count * 10
    random_mask = jax.random.randint(key, mask.shape, 1, maxval, dtype=jnp.int32)
    multiplied = mask.astype(jnp.int32) * random_mask
    sorted_idx = jnp.argsort(-multiplied, axis=-1)
    ranks = jnp.argsort(sorted_idx, axis=-1)
    selected = ranks < select_count
    return jnp.logical_and(mask, selected)


def _forward(roi_bboxes, gt_boxes, gt_labels):
    bbox_y1, bbox_x1, bbox_y2, bbox_x2 = jnp.split(roi_bboxes, 4, axis=-1)
    gt_y1, gt_x1, gt_y2, gt_x2 = jnp.split(gt_boxes, 4, axis=-1)
    # NOTE: (gt_x2 - gt_x2) bug preserved from the original TF code -> gt_area == 0
    gt_area = jnp.squeeze((gt_y2 - gt_y1) * (gt_x2 - gt_x2), axis=-1)
    bbox_area = jnp.squeeze((bbox_y2 - bbox_y1) * (bbox_x2 - bbox_x1), axis=-1)
    x_top = jnp.maximum(bbox_x1, jnp.transpose(gt_x1, (0, 2, 1)))
    y_top = jnp.maximum(bbox_y1, jnp.transpose(gt_y1, (0, 2, 1)))
    x_bottom = jnp.minimum(bbox_x2, jnp.transpose(gt_x2, (0, 2, 1)))
    y_bottom = jnp.minimum(bbox_y2, jnp.transpose(gt_y2, (0, 2, 1)))
    intersection_area = jnp.maximum(x_bottom - x_top, 0) * jnp.maximum(y_bottom - y_top, 0)
    union_area = bbox_area[..., None] + gt_area[:, None, :] - intersection_area
    # IoU only feeds argmax / threshold masks (non-differentiable paths), so
    # stop_gradient is mathematically exact and avoids NaN grads from /0.
    iou_map = jax.lax.stop_gradient(intersection_area / union_area)
    max_indices_each_gt_box = jnp.argmax(iou_map, axis=2).astype(jnp.int32)
    merged_iou_map = jnp.max(iou_map, axis=2)
    kp, kn = jax.random.split(jax.random.key(42))
    pos_mask = merged_iou_map > 0.5
    pos_mask = _randomly_select_xyz_mask(pos_mask, TOTAL_POS_BBOXES, kp)
    neg_mask = jnp.logical_and(merged_iou_map < 0.5, merged_iou_map > 0.1)
    neg_mask = _randomly_select_xyz_mask(neg_mask, TOTAL_NEG_BBOXES, kn)
    gt_boxes_map = jnp.take_along_axis(gt_boxes, max_indices_each_gt_box[..., None], axis=1)
    expanded_gt_boxes = jnp.where(pos_mask[..., None], gt_boxes_map, jnp.zeros_like(gt_boxes_map))
    gt_labels_map = jnp.take_along_axis(gt_labels, max_indices_each_gt_box, axis=1)
    pos_gt_labels = jnp.where(pos_mask, gt_labels_map, jnp.int32(-1))
    neg_gt_labels = neg_mask.astype(jnp.int32)
    expanded_gt_labels = pos_gt_labels + neg_gt_labels
    bbox_width = roi_bboxes[..., 3] - roi_bboxes[..., 1]
    bbox_height = roi_bboxes[..., 2] - roi_bboxes[..., 0]
    bbox_ctr_x = roi_bboxes[..., 1] + 0.5 * bbox_width
    bbox_ctr_y = roi_bboxes[..., 0] + 0.5 * bbox_height
    gt_width = expanded_gt_boxes[..., 3] - expanded_gt_boxes[..., 1]
    gt_height = expanded_gt_boxes[..., 2] - expanded_gt_boxes[..., 0]
    gt_ctr_x = expanded_gt_boxes[..., 1] + 0.5 * gt_width
    gt_ctr_y = expanded_gt_boxes[..., 0] + 0.5 * gt_height
    bbox_width = jnp.where(bbox_width == 0, 0.001, bbox_width)
    bbox_height = jnp.where(bbox_height == 0, 0.001, bbox_height)
    gt_width_safe = jnp.where(gt_width == 0, 1.0, gt_width)
    gt_height_safe = jnp.where(gt_height == 0, 1.0, gt_height)
    delta_x = jnp.where(gt_width == 0, jnp.zeros_like(gt_width), (gt_ctr_x - bbox_ctr_x) / bbox_width)
    delta_y = jnp.where(gt_height == 0, jnp.zeros_like(gt_height), (gt_ctr_y - bbox_ctr_y) / bbox_height)
    delta_w = jnp.where(gt_width == 0, jnp.zeros_like(gt_width), jnp.log(gt_width_safe / bbox_width))
    delta_h = jnp.where(gt_height == 0, jnp.zeros_like(gt_height), jnp.log(gt_height_safe / bbox_height))
    roi_bbox_deltas = jnp.stack([delta_y, delta_x, delta_h, delta_w], axis=-1)
    roi_bbox_labels = jax.nn.one_hot(expanded_gt_labels, TOTAL_LABELS, dtype=jnp.float32)
    scatter_indices = jnp.tile(roi_bbox_labels[..., None], (1, 1, 1, 4))
    roi_bbox_deltas = scatter_indices * roi_bbox_deltas[..., None, :]
    return roi_bbox_deltas, roi_bbox_labels


def setup_inputs(seed: int = 0):
    key = jax.random.key(seed)
    kr, kx, kg, kgx, kl = jax.random.split(key, 5)
    B, N, M = 4, 20000, 100
    roi_y = jnp.sort(jax.random.uniform(kr, (B, N, 2), dtype=jnp.float32), axis=-1)
    roi_x = jnp.sort(jax.random.uniform(kx, (B, N, 2), dtype=jnp.float32), axis=-1)
    roi_bboxes = jnp.concatenate([roi_y[..., 0:1], roi_x[..., 0:1], roi_y[..., 1:2], roi_x[..., 1:2]], axis=-1)
    gt_y = jnp.sort(jax.random.uniform(kg, (B, M, 2), dtype=jnp.float32), axis=-1)
    gt_x = jnp.sort(jax.random.uniform(kgx, (B, M, 2), dtype=jnp.float32), axis=-1)
    gt_boxes = jnp.concatenate([gt_y[..., 0:1], gt_x[..., 0:1], gt_y[..., 1:2], gt_x[..., 1:2]], axis=-1)
    gt_labels = jax.random.randint(kl, (B, M), 0, TOTAL_LABELS, dtype=jnp.int32)
    return {"roi_bboxes": roi_bboxes, "gt_boxes": gt_boxes, "gt_labels": gt_labels}


def reference(roi_bboxes, gt_boxes, gt_labels):
    return _forward(roi_bboxes, gt_boxes, gt_labels)

if __name__ == "__main__":
    import jax
    _d = setup_inputs()
    print(jax.jit(kernel)(*tuple(_d.values())))

</pallas_src>

<mosaic_0001>
module attributes {stable_mosaic.version = 14 : i64} {
  func.func @_iou_gather_kernel(%arg0: i32, %arg1: i32, %arg2: memref<1x1x2000x4xf32, #tpu.memory_space<vmem>>, %arg3: memref<1x4x100xf32, #tpu.memory_space<vmem>>, %arg4: memref<1x1x100xf32, #tpu.memory_space<vmem>>, %arg5: memref<1x1x2000x1xi32, #tpu.memory_space<vmem>>, %arg6: memref<1x1x2000x1xi32, #tpu.memory_space<vmem>>, %arg7: memref<1x1x2000x1xi32, #tpu.memory_space<vmem>>, %arg8: memref<1x1x2000x1xi32, #tpu.memory_space<vmem>>, %arg9: memref<1x1x2000x5xf32, #tpu.memory_space<vmem>>) attributes {dimension_semantics = [#tpu.dimension_semantics<parallel>, #tpu.dimension_semantics<parallel>], iteration_bounds = array<i64: 4, 10>, scalar_prefetch = 0 : i64, scratch_operands = 0 : i64, tpu.core_type = #tpu.core_type<tc>, window_params = [{transform_indices = @transform_0, window_bounds = array<i64: 1, 1, 2000, 4>}, {transform_indices = @transform_1, window_bounds = array<i64: 1, 4, 100>}, {transform_indices = @transform_2, window_bounds = array<i64: 1, 1, 100>}, {transform_indices = @transform_3, window_bounds = array<i64: 1, 1, 2000, 1>}, {transform_indices = @transform_4, window_bounds = array<i64: 1, 1, 2000, 1>}, {transform_indices = @transform_5, window_bounds = array<i64: 1, 1, 2000, 1>}, {transform_indices = @transform_6, window_bounds = array<i64: 1, 1, 2000, 1>}, {transform_indices = @transform_7, window_bounds = array<i64: 1, 1, 2000, 5>}]} {
    %get3A = arith.constant 0 : index
    %get3A_0 = arith.constant 0 : index
    %get3A_1 = arith.constant 0 : index
    %get3A_2 = arith.constant 0 : index
    %get3A_3 = vector.load %arg2[%get3A, %get3A_0, %get3A_1, %get3A_2] : memref<1x1x2000x4xf32, #tpu.memory_space<vmem>>, vector<1x1x2000x4xf32>
    %get3A_4 = vector.shape_cast %get3A_3 : vector<1x1x2000x4xf32> to vector<2000x4xf32>
    %slice3A = vector.extract_strided_slice %get3A_4 {offsets = [0, 0], sizes = [2000, 1], strides = [1, 1]} : vector<2000x4xf32> to vector<2000x1xf32>
    %slice3A_5 = vector.extract_strided_slice %get3A_4 {offsets = [0, 1], sizes = [2000, 1], strides = [1, 1]} : vector<2000x4xf32> to vector<2000x1xf32>
    %slice3A_6 = vector.extract_strided_slice %get3A_4 {offsets = [0, 2], sizes = [2000, 1], strides = [1, 1]} : vector<2000x4xf32> to vector<2000x1xf32>
    %slice3A_7 = vector.extract_strided_slice %get3A_4 {offsets = [0, 3], sizes = [2000, 1], strides = [1, 1]} : vector<2000x4xf32> to vector<2000x1xf32>
    %get3A_8 = arith.constant 0 : index
    %get3A_9 = arith.constant 0 : index
    %get3A_10 = arith.constant 0 : index
    %get3A_11 = vector.load %arg3[%get3A_8, %get3A_9, %get3A_10] : memref<1x4x100xf32, #tpu.memory_space<vmem>>, vector<1x4x100xf32>
    %get3A_12 = vector.shape_cast %get3A_11 : vector<1x4x100xf32> to vector<4x100xf32>
    %slice3A_13 = vector.extract_strided_slice %get3A_12 {offsets = [0, 0], sizes = [1, 100], strides = [1, 1]} : vector<4x100xf32> to vector<1x100xf32>
    %slice3A_14 = vector.extract_strided_slice %get3A_12 {offsets = [1, 0], sizes = [1, 100], strides = [1, 1]} : vector<4x100xf32> to vector<1x100xf32>
    %slice3A_15 = vector.extract_strided_slice %get3A_12 {offsets = [2, 0], sizes = [1, 100], strides = [1, 1]} : vector<4x100xf32> to vector<1x100xf32>
    %slice3A_16 = vector.extract_strided_slice %get3A_12 {offsets = [3, 0], sizes = [1, 100], strides = [1, 1]} : vector<4x100xf32> to vector<1x100xf32>
    %max3A = vector.broadcast %slice3A_5 : vector<2000x1xf32> to vector<2000x100xf32>
    %max3A_17 = vector.broadcast %slice3A_14 : vector<1x100xf32> to vector<2000x100xf32>
    %max3A_18 = arith.maximumf %max3A, %max3A_17 : vector<2000x100xf32>
    %max3A_19 = vector.broadcast %slice3A : vector<2000x1xf32> to vector<2000x100xf32>
    %max3A_20 = vector.broadcast %slice3A_13 : vector<1x100xf32> to vector<2000x100xf32>
    %max3A_21 = arith.maximumf %max3A_19, %max3A_20 : vector<2000x100xf32>
    %min3A = vector.broadcast %slice3A_7 : vector<2000x1xf32> to vector<2000x100xf32>
    %min3A_22 = vector.broadcast %slice3A_16 : vector<1x100xf32> to vector<2000x100xf32>
    %min3A_23 = arith.minimumf %min3A, %min3A_22 : vector<2000x100xf32>
    %min3A_24 = vector.broadcast %slice3A_6 : vector<2000x1xf32> to vector<2000x100xf32>
    %min3A_25 = vector.broadcast %slice3A_15 : vector<1x100xf32> to vector<2000x100xf32>
    %min3A_26 = arith.minimumf %min3A_24, %min3A_25 : vector<2000x100xf32>
    %sub3A = arith.subf %min3A_23, %max3A_18 : vector<2000x100xf32>
    %max3A_27 = arith.constant 0.000000e+00 : f32
    %max3A_28 = vector.broadcast %max3A_27 : f32 to vector<2000x100xf32>
    %max3A_29 = arith.maximumf %sub3A, %max3A_28 : vector<2000x100xf32>
    %sub3A_30 = arith.subf %min3A_26, %max3A_21 : vector<2000x100xf32>
    %max3A_31 = arith.constant 0.000000e+00 : f32
    %max3A_32 = vector.broadcast %max3A_31 : f32 to vector<2000x100xf32>
    %max3A_33 = arith.maximumf %sub3A_30, %max3A_32 : vector<2000x100xf32>
    %mul3A = arith.mulf %max3A_29, %max3A_33 : vector<2000x100xf32>
    %sub3A_34 = arith.subf %slice3A_6, %slice3A : vector<2000x1xf32>
    %sub3A_35 = arith.subf %slice3A_7, %slice3A_5 : vector<2000x1xf32>
    %mul3A_36 = arith.mulf %sub3A_34, %sub3A_35 : vector<2000x1xf32>
    %sub3A_37 = vector.broadcast %mul3A_36 : vector<2000x1xf32> to vector<2000x100xf32>
    %sub3A_38 = arith.subf %sub3A_37, %mul3A : vector<2000x100xf32>
    %div3A = arith.divf %mul3A, %sub3A_38 : vector<2000x100xf32>
    %reduce_max3A = arith.constant dense<0xFF800000> : vector<2000xf32>
    %reduce_max3A_39 = vector.multi_reduction <maximumf>, %div3A, %reduce_max3A [1] : vector<2000x100xf32> to vector<2000xf32>
    %broadcast_in_dim3A = vector.shape_cast %reduce_max3A_39 : vector<2000xf32> to vector<2000x1xf32>
    %eq3A = vector.broadcast %broadcast_in_dim3A : vector<2000x1xf32> to vector<2000x100xf32>
    %eq3A_40 = arith.cmpf oeq, %div3A, %eq3A : vector<2000x100xf32>
    %iota3A = tpu.iota {dimensions = array<i32: 1>} : vector<2000x100xi32>
    %jit3A = arith.constant 100 : i32
    %broadcast_in_dim3A_41 = vector.broadcast %jit3A : i32 to vector<2000x100xi32>
    %select_n3A = arith.select %eq3A_40, %iota3A, %broadcast_in_dim3A_41 : vector<2000x100xi1>, vector<2000x100xi32>
    %reduce_min3A = arith.constant dense<2147483647> : vector<2000xi32>
    %reduce_min3A_42 = vector.multi_reduction <minsi>, %select_n3A, %reduce_min3A [1] : vector<2000x100xi32> to vector<2000xi32>
    %broadcast_in_dim3A_43 = vector.shape_cast %reduce_min3A_42 : vector<2000xi32> to vector<2000x1xi32>
    %eq3A_44 = vector.broadcast %broadcast_in_dim3A_43 : vector<2000x1xi32> to vector<2000x100xi32>
    %eq3A_45 = arith.cmpi eq, %iota3A, %eq3A_44 : vector<2000x100xi32>
    %convert_element_type3A = arith.extui %eq3A_45 : vector<2000x100xi1> to vector<2000x100xi32>
    %convert_element_type3A_46 = arith.sitofp %convert_element_type3A : vector<2000x100xi32> to vector<2000x100xf32>
    %get3A_47 = arith.constant 0 : index
    %get3A_48 = arith.constant 0 : index
    %get3A_49 = arith.constant 0 : index
    %get3A_50 = vector.load %arg4[%get3A_47, %get3A_48, %get3A_49] : memref<1x1x100xf32, #tpu.memory_space<vmem>>, vector<1x1x100xf32>
    %get3A_51 = vector.shape_cast %get3A_50 : vector<1x1x100xf32> to vector<1x100xf32>
    %mul3A_52 = vector.broadcast %get3A_51 : vector<1x100xf32> to vector<2000x100xf32>
    %mul3A_53 = arith.mulf %convert_element_type3A_46, %mul3A_52 : vector<2000x100xf32>
    %reduce_sum3A = arith.constant dense<0.000000e+00> : vector<2000xf32>
    %reduce_sum3A_54 = vector.multi_reduction <add>, %mul3A_53, %reduce_sum3A [1] : vector<2000x100xf32> to vector<2000xf32>
    %broadcast_in_dim3A_55 = vector.shape_cast %reduce_sum3A_54 : vector<2000xf32> to vector<2000x1xf32>
    %mul3A_56 = vector.broadcast %slice3A_13 : vector<1x100xf32> to vector<2000x100xf32>
    %mul3A_57 = arith.mulf %convert_element_type3A_46, %mul3A_56 : vector<2000x100xf32>
    %reduce_sum3A_58 = arith.constant dense<0.000000e+00> : vector<2000xf32>
    %reduce_sum3A_59 = vector.multi_reduction <add>, %mul3A_57, %reduce_sum3A_58 [1] : vector<2000x100xf32> to vector<2000xf32>
    %broadcast_in_dim3A_60 = vector.shape_cast %reduce_sum3A_59 : vector<2000xf32> to vector<2000x1xf32>
    %mul3A_61 = vector.broadcast %slice3A_14 : vector<1x100xf32> to vector<2000x100xf32>
    %mul3A_62 = arith.mulf %convert_element_type3A_46, %mul3A_61 : vector<2000x100xf32>
    %reduce_sum3A_63 = arith.constant dense<0.000000e+00> : vector<2000xf32>
    %reduce_sum3A_64 = vector.multi_reduction <add>, %mul3A_62, %reduce_sum3A_63 [1] : vector<2000x100xf32> to vector<2000xf32>
    %broadcast_in_dim3A_65 = vector.shape_cast %reduce_sum3A_64 : vector<2000xf32> to vector<2000x1xf32>
    %mul3A_66 = vector.broadcast %slice3A_15 : vector<1x100xf32> to vector<2000x100xf32>
    %mul3A_67 = arith.mulf %convert_element_type3A_46, %mul3A_66 : vector<2000x100xf32>
    %reduce_sum3A_68 = arith.constant dense<0.000000e+00> : vector<2000xf32>
    %reduce_sum3A_69 = vector.multi_reduction <add>, %mul3A_67, %reduce_sum3A_68 [1] : vector<2000x100xf32> to vector<2000xf32>
    %broadcast_in_dim3A_70 = vector.shape_cast %reduce_sum3A_69 : vector<2000xf32> to vector<2000x1xf32>
    %mul3A_71 = vector.broadcast %slice3A_16 : vector<1x100xf32> to vector<2000x100xf32>
    %mul3A_72 = arith.mulf %convert_element_type3A_46, %mul3A_71 : vector<2000x100xf32>
    %reduce_sum3A_73 = arith.constant dense<0.000000e+00> : vector<2000xf32>
    %reduce_sum3A_74 = vector.multi_reduction <add>, %mul3A_72, %reduce_sum3A_73 [1] : vector<2000x100xf32> to vector<2000xf32>
    %broadcast_in_dim3A_75 = vector.shape_cast %reduce_sum3A_74 : vector<2000xf32> to vector<2000x1xf32>
    %gt3A = arith.constant 5.000000e-01 : f32
    %gt3A_76 = vector.broadcast %gt3A : f32 to vector<2000x1xf32>
    %gt3A_77 = arith.cmpf ogt, %broadcast_in_dim3A, %gt3A_76 : vector<2000x1xf32>
    %lt3A = arith.constant 5.000000e-01 : f32
    %lt3A_78 = vector.broadcast %lt3A : f32 to vector<2000x1xf32>
    %lt3A_79 = arith.cmpf olt, %broadcast_in_dim3A, %lt3A_78 : vector<2000x1xf32>
    %gt3A_80 = arith.constant 1.000000e-01 : f32
    %gt3A_81 = vector.broadcast %gt3A_80 : f32 to vector<2000x1xf32>
    %gt3A_82 = arith.cmpf ogt, %broadcast_in_dim3A, %gt3A_81 : vector<2000x1xf32>
    %and3A = arith.andi %lt3A_79, %gt3A_82 : vector<2000x1xi1>
    %get3A_83 = arith.constant 0 : index
    %get3A_84 = arith.constant 0 : index
    %get3A_85 = arith.constant 0 : index
    %get3A_86 = arith.constant 0 : index
    %get3A_87 = vector.load %arg5[%get3A_83, %get3A_84, %get3A_85, %get3A_86] : memref<1x1x2000x1xi32, #tpu.memory_space<vmem>>, vector<1x1x2000x1xi32>
    %get3A_88 = vector.shape_cast %get3A_87 : vector<1x1x2000x1xi32> to vector<2000x1xi32>
    %jit3A_89 = arith.constant 0 : i32
    %broadcast_in_dim3A_90 = vector.broadcast %jit3A_89 : i32 to vector<2000x1xi32>
    %select_n3A_91 = arith.select %gt3A_77, %get3A_88, %broadcast_in_dim3A_90 : vector<2000x1xi1>, vector<2000x1xi32>
    %swap3A = arith.constant 0 : index
    %swap3A_92 = arith.constant 0 : index
    %swap3A_93 = arith.constant 0 : index
    %swap3A_94 = arith.constant 0 : index
    %swap3A_95 = vector.load %arg7[%swap3A, %swap3A_92, %swap3A_93, %swap3A_94] : memref<1x1x2000x1xi32, #tpu.memory_space<vmem>>, vector<1x1x2000x1xi32>
    %swap3A_96 = vector.shape_cast %swap3A_95 : vector<1x1x2000x1xi32> to vector<2000x1xi32>
    %swap3A_97 = vector.shape_cast %select_n3A_91 : vector<2000x1xi32> to vector<1x1x2000x1xi32>
    tpu.vector_store %arg7[%swap3A, %swap3A_92, %swap3A_93, %swap3A_94], %swap3A_97 {strides = array<i32>} : memref<1x1x2000x1xi32, #tpu.memory_space<vmem>>, vector<1x1x2000x1xi32>,
    %get3A_98 = arith.constant 0 : index
    %get3A_99 = arith.constant 0 : index
    %get3A_100 = arith.constant 0 : index
    %get3A_101 = arith.constant 0 : index
    %get3A_102 = vector.load %arg6[%get3A_98, %get3A_99, %get3A_100, %get3A_101] : memref<1x1x2000x1xi32, #tpu.memory_space<vmem>>, vector<1x1x2000x1xi32>
    %get3A_103 = vector.shape_cast %get3A_102 : vector<1x1x2000x1xi32> to vector<2000x1xi32>
    %jit3A_104 = arith.constant 0 : i32
    %broadcast_in_dim3A_105 = vector.broadcast %jit3A_104 : i32 to vector<2000x1xi32>
    %select_n3A_106 = arith.select %and3A, %get3A_103, %broadcast_in_dim3A_105 : vector<2000x1xi1>, vector<2000x1xi32>
    %swap3A_107 = arith.constant 0 : index
    %swap3A_108 = arith.constant 0 : index
    %swap3A_109 = arith.constant 0 : index
    %swap3A_110 = arith.constant 0 : index
    %swap3A_111 = vector.load %arg8[%swap3A_107, %swap3A_108, %swap3A_109, %swap3A_110] : memref<1x1x2000x1xi32, #tpu.memory_space<vmem>>, vector<1x1x2000x1xi32>
    %swap3A_112 = vector.shape_cast %swap3A_111 : vector<1x1x2000x1xi32> to vector<2000x1xi32>
    %swap3A_113 = vector.shape_cast %select_n3A_106 : vector<2000x1xi32> to vector<1x1x2000x1xi32>
    tpu.vector_store %arg8[%swap3A_107, %swap3A_108, %swap3A_109, %swap3A_110], %swap3A_113 {strides = array<i32>} : memref<1x1x2000x1xi32, #tpu.memory_space<vmem>>, vector<1x1x2000x1xi32>,
    %concatenate3A = tpu.concatenate %broadcast_in_dim3A_55, %broadcast_in_dim3A_60, %broadcast_in_dim3A_65, %broadcast_in_dim3A_70, %broadcast_in_dim3A_75 in 1 : vector<2000x1xf32>, vector<2000x1xf32>, vector<2000x1xf32>, vector<2000x1xf32>, vector<2000x1xf32> -> vector<2000x5xf32>
    %swap3A_114 = arith.constant 0 : index
    %swap3A_115 = arith.constant 0 : index
    %swap3A_116 = arith.constant 0 : index
    %swap3A_117 = arith.constant 0 : index
    %swap3A_118 = vector.load %arg9[%swap3A_114, %swap3A_115, %swap3A_116, %swap3A_117] : memref<1x1x2000x5xf32, #tpu.memory_space<vmem>>, vector<1x1x2000x5xf32>
    %swap3A_119 = vector.shape_cast %swap3A_118 : vector<1x1x2000x5xf32> to vector<2000x5xf32>
    %swap3A_120 = vector.shape_cast %concatenate3A : vector<2000x5xf32> to vector<1x1x2000x5xf32>
    tpu.vector_store %arg9[%swap3A_114, %swap3A_115, %swap3A_116, %swap3A_117], %swap3A_120 {strides = array<i32>} : memref<1x1x2000x5xf32, #tpu.memory_space<vmem>>, vector<1x1x2000x5xf32>,
    return
  }
  func.func @transform_0(%arg0: i32, %arg1: i32) -> (i32, i32, i32, i32) {
    %c0_i32 = arith.constant 0 : i32
    %c0_i32_0 = arith.constant 0 : i32
    %c0_i32_1 = arith.constant 0 : i32
    return %arg0, %arg1, %c0_i32, %c0_i32_0 : i32, i32, i32, i32
  }
  func.func @transform_1(%arg0: i32, %arg1: i32) -> (i32, i32, i32) {
    %c0_i32 = arith.constant 0 : i32
    %c0_i32_0 = arith.constant 0 : i32
    %c0_i32_1 = arith.constant 0 : i32
    return %arg0, %c0_i32, %c0_i32_0 : i32, i32, i32
  }
  func.func @transform_2(%arg0: i32, %arg1: i32) -> (i32, i32, i32) {
    %c0_i32 = arith.constant 0 : i32
    %c0_i32_0 = arith.constant 0 : i32
    %c0_i32_1 = arith.constant 0 : i32
    return %arg0, %c0_i32, %c0_i32_0 : i32, i32, i32
  }
  func.func @transform_3(%arg0: i32, %arg1: i32) -> (i32, i32, i32, i32) {
    %c0_i32 = arith.constant 0 : i32
    %c0_i32_0 = arith.constant 0 : i32
    %c0_i32_1 = arith.constant 0 : i32
    return %arg0, %arg1, %c0_i32, %c0_i32_0 : i32, i32, i32, i32
  }
  func.func @transform_4(%arg0: i32, %arg1: i32) -> (i32, i32, i32, i32) {
    %c0_i32 = arith.constant 0 : i32
    %c0_i32_0 = arith.constant 0 : i32
    %c0_i32_1 = arith.constant 0 : i32
    return %arg0, %arg1, %c0_i32, %c0_i32_0 : i32, i32, i32, i32
  }
  func.func @transform_5(%arg0: i32, %arg1: i32) -> (i32, i32, i32, i32) {
    %c0_i32 = arith.constant 0 : i32
    %c0_i32_0 = arith.constant 0 : i32
    %c0_i32_1 = arith.constant 0 : i32
    return %arg0, %arg1, %c0_i32, %c0_i32_0 : i32, i32, i32, i32
  }
  func.func @transform_6(%arg0: i32, %arg1: i32) -> (i32, i32, i32, i32) {
    %c0_i32 = arith.constant 0 : i32
    %c0_i32_0 = arith.constant 0 : i32
    %c0_i32_1 = arith.constant 0 : i32
    return %arg0, %arg1, %c0_i32, %c0_i32_0 : i32, i32, i32, i32
  }
  func.func @transform_7(%arg0: i32, %arg1: i32) -> (i32, i32, i32, i32) {
    %c0_i32 = arith.constant 0 : i32
    %c0_i32_0 = arith.constant 0 : i32
    %c0_i32_1 = arith.constant 0 : i32
    return %arg0, %arg1, %c0_i32, %c0_i32_0 : i32, i32, i32, i32
  }
}

module attributes {stable_mosaic.version = 14 : i64} {
  func.func @_threshold_kernel(%arg0: i32, %arg1: memref<1x10x1x2000xi32, #tpu.memory_space<vmem>>, %arg2: memref<1x10x1x2000xi32, #tpu.memory_space<vmem>>, %arg3: memref<1x1x4xi32, #tpu.memory_space<vmem>>) attributes {dimension_semantics = [#tpu.dimension_semantics<arbitrary>], iteration_bounds = array<i64: 4>, scalar_prefetch = 0 : i64, scratch_operands = 0 : i64, tpu.core_type = #tpu.core_type<tc>, window_params = [{transform_indices = @transform_0, window_bounds = array<i64: 1, 10, 1, 2000>}, {transform_indices = @transform_1, window_bounds = array<i64: 1, 10, 1, 2000>}, {transform_indices = @transform_2, window_bounds = array<i64: 1, 1, 4>}]} {
    %get3A = arith.constant 0 : index
    %get3A_0 = arith.constant 0 : index
    %get3A_1 = arith.constant 0 : index
    %get3A_2 = arith.constant 0 : index
    %get3A_3 = vector.load %arg1[%get3A, %get3A_0, %get3A_1, %get3A_2] : memref<1x10x1x2000xi32, #tpu.memory_space<vmem>>, vector<1x10x1x2000xi32>
    %get3A_4 = vector.shape_cast %get3A_3 : vector<1x10x1x2000xi32> to vector<10x1x2000xi32>
    %get3A_5 = arith.constant 0 : index
    %get3A_6 = arith.constant 0 : index
    %get3A_7 = arith.constant 0 : index
    %get3A_8 = arith.constant 0 : index
    %get3A_9 = vector.load %arg2[%get3A_5, %get3A_6, %get3A_7, %get3A_8] : memref<1x10x1x2000xi32, #tpu.memory_space<vmem>>, vector<1x10x1x2000xi32>
    %get3A_10 = vector.shape_cast %get3A_9 : vector<1x10x1x2000xi32> to vector<10x1x2000xi32>
    %iota3A = tpu.iota {dimensions = array<i32: 0>} : vector<10x1x2000xi32>
    %mul3A = arith.constant 2000 : i32
    %mul3A_11 = vector.broadcast %mul3A : i32 to vector<10x1x2000xi32>
    %mul3A_12 = arith.muli %iota3A, %mul3A_11 : vector<10x1x2000xi32>
    %iota3A_13 = tpu.iota {dimensions = array<i32: 2>} : vector<10x1x2000xi32>
    %add3A = arith.addi %mul3A_12, %iota3A_13 : vector<10x1x2000xi32>
    %scan3A = arith.constant 0 : i32
    %scan3A_14 = arith.constant 639 : i32
    %scan3A_15 = arith.constant 0 : i32
    %scan3A_16 = arith.constant 11 : i32
    %scan3A_17 = arith.addi %scan3A_15, %scan3A_16 : i32
    %scan3A_18 = arith.constant 1 : i32
    %scan3A_19:2 = scf.for %scan3A_68 = %scan3A_15 to %scan3A_17 step %scan3A_18 iter_args(%scan3A_69 = %scan3A, %scan3A_70 = %scan3A_14) -> (i32, i32)  : i32 {
      %add3A_71 = arith.addi %scan3A_69, %scan3A_70 : i32
      %jit3A = arith.constant 2 : i32
      %div3A = arith.divsi %add3A_71, %jit3A : i32
      %sign3A = arith.constant 0 : i32
      %sign3A_72 = arith.cmpi sgt, %add3A_71, %sign3A : i32
      %sign3A_73 = arith.extui %sign3A_72 : i1 to i32
      %sign3A_74 = arith.constant 0 : i32
      %sign3A_75 = arith.cmpi slt, %add3A_71, %sign3A_74 : i32
      %sign3A_76 = arith.extui %sign3A_75 : i1 to i32
      %sign3A_77 = arith.subi %sign3A_73, %sign3A_76 : i32
      %sign3A_78 = arith.constant 0 : i32
      %sign3A_79 = arith.cmpi sgt, %jit3A, %sign3A_78 : i32
      %sign3A_80 = arith.extui %sign3A_79 : i1 to i32
      %sign3A_81 = arith.constant 0 : i32
      %sign3A_82 = arith.cmpi slt, %jit3A, %sign3A_81 : i32
      %sign3A_83 = arith.extui %sign3A_82 : i1 to i32
      %sign3A_84 = arith.subi %sign3A_80, %sign3A_83 : i32
      %ne3A = arith.cmpi ne, %sign3A_77, %sign3A_84 : i32
      %rem3A = arith.remsi %add3A_71, %jit3A : i32
      %ne3A_85 = arith.constant 0 : i32
      %ne3A_86 = arith.cmpi ne, %rem3A, %ne3A_85 : i32
      %and3A = arith.andi %ne3A, %ne3A_86 : i1
      %sub3A_87 = arith.constant 1 : i32
      %sub3A_88 = arith.subi %div3A, %sub3A_87 : i32
      %select_n3A = arith.select %and3A, %sub3A_88, %div3A : i32
      %gt3A_89 = vector.broadcast %select_n3A : i32 to vector<10x1x2000xi32>
      %gt3A_90 = arith.cmpi sgt, %get3A_4, %gt3A_89 : vector<10x1x2000xi32>
      %convert_element_type3A_91 = arith.extui %gt3A_90 : vector<10x1x2000xi1> to vector<10x1x2000xi32>
      %reduce_sum3A_92 = vector.shape_cast %convert_element_type3A_91 : vector<10x1x2000xi32> to vector<1x10x1x2000xi32>
      %reduce_sum3A_93 = arith.constant dense<0> : vector<1xi32>
      %reduce_sum3A_94 = vector.multi_reduction <add>, %reduce_sum3A_92, %reduce_sum3A_93 [1, 2, 3] : vector<1x10x1x2000xi32> to vector<1xi32>
      %reduce_sum3A_95 = vector.shape_cast %reduce_sum3A_94 : vector<1xi32> to vector<1x1x1x1xi32>
      %reduce_sum3A_96 = vector.extract %reduce_sum3A_95[0, 0, 0, 0] : i32 from vector<1x1x1x1xi32>
      %lt3A = arith.constant 64 : i32
      %lt3A_97 = arith.cmpi slt, %reduce_sum3A_96, %lt3A : i32
      %add3A_98 = arith.constant 1 : i32
      %add3A_99 = arith.addi %select_n3A, %add3A_98 : i32
      %select_n3A_100 = arith.select %lt3A_97, %scan3A_69, %add3A_99 : i32
      %select_n3A_101 = arith.select %lt3A_97, %select_n3A, %scan3A_70 : i32
      scf.yield %select_n3A_100, %select_n3A_101 : i32, i32
    }
    %gt3A = vector.broadcast %scan3A_19#0 : i32 to vector<10x1x2000xi32>
    %gt3A_20 = arith.cmpi sgt, %get3A_4, %gt3A : vector<10x1x2000xi32>
    %convert_element_type3A = arith.extui %gt3A_20 : vector<10x1x2000xi1> to vector<10x1x2000xi32>
    %reduce_sum3A = vector.shape_cast %convert_element_type3A : vector<10x1x2000xi32> to vector<1x10x1x2000xi32>
    %reduce_sum3A_21 = arith.constant dense<0> : vector<1xi32>
    %reduce_sum3A_22 = vector.multi_reduction <add>, %reduce_sum3A, %reduce_sum3A_21 [1, 2, 3] : vector<1x10x1x2000xi32> to vector<1xi32>
    %reduce_sum3A_23 = vector.shape_cast %reduce_sum3A_22 : vector<1xi32> to vector<1x1x1x1xi32>
    %reduce_sum3A_24 = vector.extract %reduce_sum3A_23[0, 0, 0, 0] : i32 from vector<1x1x1x1xi32>
    %sub3A = arith.constant 64 : i32
    %sub3A_25 = arith.subi %sub3A, %reduce_sum3A_24 : i32
    %eq3A = vector.broadcast %scan3A_19#0 : i32 to vector<10x1x2000xi32>
    %eq3A_26 = arith.cmpi eq, %get3A_4, %eq3A : vector<10x1x2000xi32>
    %scan3A_27 = arith.constant 0 : i32
    %scan3A_28 = arith.constant 20000 : i32
    %scan3A_29 = arith.constant 0 : i32
    %scan3A_30 = arith.constant 15 : i32
    %scan3A_31 = arith.addi %scan3A_29, %scan3A_30 : i32
    %scan3A_32 = arith.constant 1 : i32
    %scan3A_33:2 = scf.for %scan3A_68 = %scan3A_29 to %scan3A_31 step %scan3A_32 iter_args(%scan3A_69 = %scan3A_27, %scan3A_70 = %scan3A_28) -> (i32, i32)  : i32 {
      %add3A_71 = arith.addi %scan3A_69, %scan3A_70 : i32
      %jit3A = arith.constant 2 : i32
      %div3A = arith.divsi %add3A_71, %jit3A : i32
      %sign3A = arith.constant 0 : i32
      %sign3A_72 = arith.cmpi sgt, %add3A_71, %sign3A : i32
      %sign3A_73 = arith.extui %sign3A_72 : i1 to i32
      %sign3A_74 = arith.constant 0 : i32
      %sign3A_75 = arith.cmpi slt, %add3A_71, %sign3A_74 : i32
      %sign3A_76 = arith.extui %sign3A_75 : i1 to i32
      %sign3A_77 = arith.subi %sign3A_73, %sign3A_76 : i32
      %sign3A_78 = arith.constant 0 : i32
      %sign3A_79 = arith.cmpi sgt, %jit3A, %sign3A_78 : i32
      %sign3A_80 = arith.extui %sign3A_79 : i1 to i32
      %sign3A_81 = arith.constant 0 : i32
      %sign3A_82 = arith.cmpi slt, %jit3A, %sign3A_81 : i32
      %sign3A_83 = arith.extui %sign3A_82 : i1 to i32
      %sign3A_84 = arith.subi %sign3A_80, %sign3A_83 : i32
      %ne3A = arith.cmpi ne, %sign3A_77, %sign3A_84 : i32
      %rem3A = arith.remsi %add3A_71, %jit3A : i32
      %ne3A_85 = arith.constant 0 : i32
      %ne3A_86 = arith.cmpi ne, %rem3A, %ne3A_85 : i32
      %and3A = arith.andi %ne3A, %ne3A_86 : i1
      %sub3A_87 = arith.constant 1 : i32
      %sub3A_88 = arith.subi %div3A, %sub3A_87 : i32
      %select_n3A = arith.select %and3A, %sub3A_88, %div3A : i32
      %lt3A = vector.broadcast %select_n3A : i32 to vector<10x1x2000xi32>
      %lt3A_89 = arith.cmpi slt, %add3A, %lt3A : vector<10x1x2000xi32>
      %and3A_90 = arith.andi %eq3A_26, %lt3A_89 : vector<10x1x2000xi1>
      %jit3A_91 = arith.constant 1 : i32
      %jit3A_92 = arith.constant 0 : i32
      %broadcast_in_dim3A_93 = vector.broadcast %jit3A_91 : i32 to vector<10x1x2000xi32>
      %broadcast_in_dim3A_94 = vector.broadcast %jit3A_92 : i32 to vector<10x1x2000xi32>
      %select_n3A_95 = arith.select %and3A_90, %broadcast_in_dim3A_93, %broadcast_in_dim3A_94 : vector<10x1x2000xi1>, vector<10x1x2000xi32>
      %reduce_sum3A_96 = vector.shape_cast %select_n3A_95 : vector<10x1x2000xi32> to vector<1x10x1x2000xi32>
      %reduce_sum3A_97 = arith.constant dense<0> : vector<1xi32>
      %reduce_sum3A_98 = vector.multi_reduction <add>, %reduce_sum3A_96, %reduce_sum3A_97 [1, 2, 3] : vector<1x10x1x2000xi32> to vector<1xi32>
      %reduce_sum3A_99 = vector.shape_cast %reduce_sum3A_98 : vector<1xi32> to vector<1x1x1x1xi32>
      %reduce_sum3A_100 = vector.extract %reduce_sum3A_99[0, 0, 0, 0] : i32 from vector<1x1x1x1xi32>
      %ge3A = arith.cmpi sge, %reduce_sum3A_100, %sub3A_25 : i32
      %add3A_101 = arith.constant 1 : i32
      %add3A_102 = arith.addi %select_n3A, %add3A_101 : i32
      %select_n3A_103 = arith.select %ge3A, %scan3A_69, %add3A_102 : i32
      %select_n3A_104 = arith.select %ge3A, %select_n3A, %scan3A_70 : i32
      scf.yield %select_n3A_103, %select_n3A_104 : i32, i32
    }
    %scan3A_34 = arith.constant 0 : i32
    %scan3A_35 = arith.constant 1919 : i32
    %scan3A_36 = arith.constant 0 : i32
    %scan3A_37 = arith.constant 11 : i32
    %scan3A_38 = arith.addi %scan3A_36, %scan3A_37 : i32
    %scan3A_39 = arith.constant 1 : i32
    %scan3A_40:2 = scf.for %scan3A_68 = %scan3A_36 to %scan3A_38 step %scan3A_39 iter_args(%scan3A_69 = %scan3A_34, %scan3A_70 = %scan3A_35) -> (i32, i32)  : i32 {
      %add3A_71 = arith.addi %scan3A_69, %scan3A_70 : i32
      %jit3A = arith.constant 2 : i32
      %div3A = arith.divsi %add3A_71, %jit3A : i32
      %sign3A = arith.constant 0 : i32
      %sign3A_72 = arith.cmpi sgt, %add3A_71, %sign3A : i32
      %sign3A_73 = arith.extui %sign3A_72 : i1 to i32
      %sign3A_74 = arith.constant 0 : i32
      %sign3A_75 = arith.cmpi slt, %add3A_71, %sign3A_74 : i32
      %sign3A_76 = arith.extui %sign3A_75 : i1 to i32
      %sign3A_77 = arith.subi %sign3A_73, %sign3A_76 : i32
      %sign3A_78 = arith.constant 0 : i32
      %sign3A_79 = arith.cmpi sgt, %jit3A, %sign3A_78 : i32
      %sign3A_80 = arith.extui %sign3A_79 : i1 to i32
      %sign3A_81 = arith.constant 0 : i32
      %sign3A_82 = arith.cmpi slt, %jit3A, %sign3A_81 : i32
      %sign3A_83 = arith.extui %sign3A_82 : i1 to i32
      %sign3A_84 = arith.subi %sign3A_80, %sign3A_83 : i32
      %ne3A = arith.cmpi ne, %sign3A_77, %sign3A_84 : i32
      %rem3A = arith.remsi %add3A_71, %jit3A : i32
      %ne3A_85 = arith.constant 0 : i32
      %ne3A_86 = arith.cmpi ne, %rem3A, %ne3A_85 : i32
      %and3A = arith.andi %ne3A, %ne3A_86 : i1
      %sub3A_87 = arith.constant 1 : i32
      %sub3A_88 = arith.subi %div3A, %sub3A_87 : i32
      %select_n3A = arith.select %and3A, %sub3A_88, %div3A : i32
      %gt3A_89 = vector.broadcast %select_n3A : i32 to vector<10x1x2000xi32>
      %gt3A_90 = arith.cmpi sgt, %get3A_10, %gt3A_89 : vector<10x1x2000xi32>
      %convert_element_type3A_91 = arith.extui %gt3A_90 : vector<10x1x2000xi1> to vector<10x1x2000xi32>
      %reduce_sum3A_92 = vector.shape_cast %convert_element_type3A_91 : vector<10x1x2000xi32> to vector<1x10x1x2000xi32>
      %reduce_sum3A_93 = arith.constant dense<0> : vector<1xi32>
      %reduce_sum3A_94 = vector.multi_reduction <add>, %reduce_sum3A_92, %reduce_sum3A_93 [1, 2, 3] : vector<1x10x1x2000xi32> to vector<1xi32>
      %reduce_sum3A_95 = vector.shape_cast %reduce_sum3A_94 : vector<1xi32> to vector<1x1x1x1xi32>
      %reduce_sum3A_96 = vector.extract %reduce_sum3A_95[0, 0, 0, 0] : i32 from vector<1x1x1x1xi32>
      %lt3A = arith.constant 192 : i32
      %lt3A_97 = arith.cmpi slt, %reduce_sum3A_96, %lt3A : i32
      %add3A_98 = arith.constant 1 : i32
      %add3A_99 = arith.addi %select_n3A, %add3A_98 : i32
      %select_n3A_100 = arith.select %lt3A_97, %scan3A_69, %add3A_99 : i32
      %select_n3A_101 = arith.select %lt3A_97, %select_n3A, %scan3A_70 : i32
      scf.yield %select_n3A_100, %select_n3A_101 : i32, i32
    }
    %gt3A_41 = vector.broadcast %scan3A_40#0 : i32 to vector<10x1x2000xi32>
    %gt3A_42 = arith.cmpi sgt, %get3A_10, %gt3A_41 : vector<10x1x2000xi32>
    %convert_element_type3A_43 = arith.extui %gt3A_42 : vector<10x1x2000xi1> to vector<10x1x2000xi32>
    %reduce_sum3A_44 = vector.shape_cast %convert_element_type3A_43 : vector<10x1x2000xi32> to vector<1x10x1x2000xi32>
    %reduce_sum3A_45 = arith.constant dense<0> : vector<1xi32>
    %reduce_sum3A_46 = vector.multi_reduction <add>, %reduce_sum3A_44, %reduce_sum3A_45 [1, 2, 3] : vector<1x10x1x2000xi32> to vector<1xi32>
    %reduce_sum3A_47 = vector.shape_cast %reduce_sum3A_46 : vector<1xi32> to vector<1x1x1x1xi32>
    %reduce_sum3A_48 = vector.extract %reduce_sum3A_47[0, 0, 0, 0] : i32 from vector<1x1x1x1xi32>
    %sub3A_49 = arith.constant 192 : i32
    %sub3A_50 = arith.subi %sub3A_49, %reduce_sum3A_48 : i32
    %eq3A_51 = vector.broadcast %scan3A_40#0 : i32 to vector<10x1x2000xi32>
    %eq3A_52 = arith.cmpi eq, %get3A_10, %eq3A_51 : vector<10x1x2000xi32>
    %scan3A_53 = arith.constant 0 : i32
    %scan3A_54 = arith.constant 20000 : i32
    %scan3A_55 = arith.constant 0 : i32
    %scan3A_56 = arith.constant 15 : i32
    %scan3A_57 = arith.addi %scan3A_55, %scan3A_56 : i32
    %scan3A_58 = arith.constant 1 : i32
    %scan3A_59:2 = scf.for %scan3A_68 = %scan3A_55 to %scan3A_57 step %scan3A_58 iter_args(%scan3A_69 = %scan3A_53, %scan3A_70 = %scan3A_54) -> (i32, i32)  : i32 {
      %add3A_71 = arith.addi %scan3A_69, %scan3A_70 : i32
      %jit3A = arith.constant 2 : i32
      %div3A = arith.divsi %add3A_71, %jit3A : i32
      %sign3A = arith.constant 0 : i32
      %sign3A_72 = arith.cmpi sgt, %add3A_71, %sign3A : i32
      %sign3A_73 = arith.extui %sign3A_72 : i1 to i32
      %sign3A_74 = arith.constant 0 : i32
      %sign3A_75 = arith.cmpi slt, %add3A_71, %sign3A_74 : i32
      %sign3A_76 = arith.extui %sign3A_75 : i1 to i32
      %sign3A_77 = arith.subi %sign3A_73, %sign3A_76 : i32
      %sign3A_78 = arith.constant 0 : i32
      %sign3A_79 = arith.cmpi sgt, %jit3A, %sign3A_78 : i32
      %sign3A_80 = arith.extui %sign3A_79 : i1 to i32
      %sign3A_81 = arith.constant 0 : i32
      %sign3A_82 = arith.cmpi slt, %jit3A, %sign3A_81 : i32
      %sign3A_83 = arith.extui %sign3A_82 : i1 to i32
      %sign3A_84 = arith.subi %sign3A_80, %sign3A_83 : i32
      %ne3A = arith.cmpi ne, %sign3A_77, %sign3A_84 : i32
      %rem3A = arith.remsi %add3A_71, %jit3A : i32
      %ne3A_85 = arith.constant 0 : i32
      %ne3A_86 = arith.cmpi ne, %rem3A, %ne3A_85 : i32
      %and3A = arith.andi %ne3A, %ne3A_86 : i1
      %sub3A_87 = arith.constant 1 : i32
      %sub3A_88 = arith.subi %div3A, %sub3A_87 : i32
      %select_n3A = arith.select %and3A, %sub3A_88, %div3A : i32
      %lt3A = vector.broadcast %select_n3A : i32 to vector<10x1x2000xi32>
      %lt3A_89 = arith.cmpi slt, %add3A, %lt3A : vector<10x1x2000xi32>
      %and3A_90 = arith.andi %eq3A_52, %lt3A_89 : vector<10x1x2000xi1>
      %jit3A_91 = arith.constant 1 : i32
      %jit3A_92 = arith.constant 0 : i32
      %broadcast_in_dim3A_93 = vector.broadcast %jit3A_91 : i32 to vector<10x1x2000xi32>
      %broadcast_in_dim3A_94 = vector.broadcast %jit3A_92 : i32 to vector<10x1x2000xi32>
      %select_n3A_95 = arith.select %and3A_90, %broadcast_in_dim3A_93, %broadcast_in_dim3A_94 : vector<10x1x2000xi1>, vector<10x1x2000xi32>
      %reduce_sum3A_96 = vector.shape_cast %select_n3A_95 : vector<10x1x2000xi32> to vector<1x10x1x2000xi32>
      %reduce_sum3A_97 = arith.constant dense<0> : vector<1xi32>
      %reduce_sum3A_98 = vector.multi_reduction <add>, %reduce_sum3A_96, %reduce_sum3A_97 [1, 2, 3] : vector<1x10x1x2000xi32> to vector<1xi32>
      %reduce_sum3A_99 = vector.shape_cast %reduce_sum3A_98 : vector<1xi32> to vector<1x1x1x1xi32>
      %reduce_sum3A_100 = vector.extract %reduce_sum3A_99[0, 0, 0, 0] : i32 from vector<1x1x1x1xi32>
      %ge3A = arith.cmpi sge, %reduce_sum3A_100, %sub3A_50 : i32
      %add3A_101 = arith.constant 1 : i32
      %add3A_102 = arith.addi %select_n3A, %add3A_101 : i32
      %select_n3A_103 = arith.select %ge3A, %scan3A_69, %add3A_102 : i32
      %select_n3A_104 = arith.select %ge3A, %select_n3A, %scan3A_70 : i32
      scf.yield %select_n3A_103, %select_n3A_104 : i32, i32
    }
    %broadcast_in_dim3A = vector.broadcast %scan3A_19#0 : i32 to vector<1x1xi32>
    %broadcast_in_dim3A_60 = vector.broadcast %scan3A_33#0 : i32 to vector<1x1xi32>
    %broadcast_in_dim3A_61 = vector.broadcast %scan3A_40#0 : i32 to vector<1x1xi32>
    %broadcast_in_dim3A_62 = vector.broadcast %scan3A_59#0 : i32 to vector<1x1xi32>
    %concatenate3A = tpu.concatenate %broadcast_in_dim3A, %broadcast_in_dim3A_60, %broadcast_in_dim3A_61, %broadcast_in_dim3A_62 in 1 : vector<1x1xi32>, vector<1x1xi32>, vector<1x1xi32>, vector<1x1xi32> -> vector<1x4xi32>
    %swap3A = arith.constant 0 : index
    %swap3A_63 = arith.constant 0 : index
    %swap3A_64 = arith.constant 0 : index
    %swap3A_65 = vector.load %arg3[%swap3A, %swap3A_63, %swap3A_64] : memref<1x1x4xi32, #tpu.memory_space<vmem>>, vector<1x1x4xi32>
    %swap3A_66 = vector.shape_cast %swap3A_65 : vector<1x1x4xi32> to vector<1x4xi32>
    %swap3A_67 = vector.shape_cast %concatenate3A : vector<1x4xi32> to vector<1x1x4xi32>
    tpu.vector_store %arg3[%swap3A, %swap3A_63, %swap3A_64], %swap3A_67 {strides = array<i32>} : memref<1x1x4xi32, #tpu.memory_space<vmem>>, vector<1x1x4xi32>,
    return
  }
  func.func @transform_0(%arg0: i32) -> (i32, i32, i32, i32) {
    %c0_i32 = arith.constant 0 : i32
    %c0_i32_0 = arith.constant 0 : i32
    %c0_i32_1 = arith.constant 0 : i32
    %c0_i32_2 = arith.constant 0 : i32
    return %arg0, %c0_i32, %c0_i32_0, %c0_i32_1 : i32, i32, i32, i32
  }
  func.func @transform_1(%arg0: i32) -> (i32, i32, i32, i32) {
    %c0_i32 = arith.constant 0 : i32
    %c0_i32_0 = arith.constant 0 : i32
    %c0_i32_1 = arith.constant 0 : i32
    %c0_i32_2 = arith.constant 0 : i32
    return %arg0, %c0_i32, %c0_i32_0, %c0_i32_1 : i32, i32, i32, i32
  }
  func.func @transform_2(%arg0: i32) -> (i32, i32, i32) {
    %c0_i32 = arith.constant 0 : i32
    %c0_i32_0 = arith.constant 0 : i32
    %c0_i32_1 = arith.constant 0 : i32
    return %arg0, %c0_i32, %c0_i32_0 : i32, i32, i32
  }
}

module attributes {stable_mosaic.version = 14 : i64} {
  func.func @_assign_kernel(%arg0: i32, %arg1: i32, %arg2: memref<1x1x2000x4xf32, #tpu.memory_space<vmem>>, %arg3: memref<1x1x2000x1xi32, #tpu.memory_space<vmem>>, %arg4: memref<1x1x2000x1xi32, #tpu.memory_space<vmem>>, %arg5: memref<1x1x2000x5xf32, #tpu.memory_space<vmem>>, %arg6: memref<1x1x4xi32, #tpu.memory_space<vmem>>, %arg7: memref<1x2000x81xf32, #tpu.memory_space<vmem>>, %arg8: memref<1x2000x324xf32, #tpu.memory_space<vmem>>) attributes {dimension_semantics = [#tpu.dimension_semantics<parallel>, #tpu.dimension_semantics<parallel>], iteration_bounds = array<i64: 4, 10>, scalar_prefetch = 0 : i64, scratch_operands = 0 : i64, tpu.core_type = #tpu.core_type<tc>, window_params = [{transform_indices = @transform_0, window_bounds = array<i64: 1, 1, 2000, 4>}, {transform_indices = @transform_1, window_bounds = array<i64: 1, 1, 2000, 1>}, {transform_indices = @transform_2, window_bounds = array<i64: 1, 1, 2000, 1>}, {transform_indices = @transform_3, window_bounds = array<i64: 1, 1, 2000, 5>}, {transform_indices = @transform_4, window_bounds = array<i64: 1, 1, 4>}, {transform_indices = @transform_5, window_bounds = array<i64: 1, 2000, 81>}, {transform_indices = @transform_6, window_bounds = array<i64: 1, 2000, 324>}]} {
    %get3A = arith.constant 0 : index
    %get3A_0 = arith.constant 0 : index
    %get3A_1 = arith.constant 0 : index
    %get3A_2 = vector.load %arg6[%get3A, %get3A_0, %get3A_1] : memref<1x1x4xi32, #tpu.memory_space<vmem>>, vector<1x1x4xi32>
    %get3A_3 = vector.shape_cast %get3A_2 : vector<1x1x4xi32> to vector<1x4xi32>
    %slice3A = vector.extract_strided_slice %get3A_3 {offsets = [0, 0], sizes = [1, 1], strides = [1, 1]} : vector<1x4xi32> to vector<1x1xi32>
    %slice3A_4 = vector.extract_strided_slice %get3A_3 {offsets = [0, 1], sizes = [1, 1], strides = [1, 1]} : vector<1x4xi32> to vector<1x1xi32>
    %slice3A_5 = vector.extract_strided_slice %get3A_3 {offsets = [0, 2], sizes = [1, 1], strides = [1, 1]} : vector<1x4xi32> to vector<1x1xi32>
    %slice3A_6 = vector.extract_strided_slice %get3A_3 {offsets = [0, 3], sizes = [1, 1], strides = [1, 1]} : vector<1x4xi32> to vector<1x1xi32>
    %get3A_7 = arith.constant 0 : index
    %get3A_8 = arith.constant 0 : index
    %get3A_9 = arith.constant 0 : index
    %get3A_10 = arith.constant 0 : index
    %get3A_11 = vector.load %arg3[%get3A_7, %get3A_8, %get3A_9, %get3A_10] : memref<1x1x2000x1xi32, #tpu.memory_space<vmem>>, vector<1x1x2000x1xi32>
    %get3A_12 = vector.shape_cast %get3A_11 : vector<1x1x2000x1xi32> to vector<2000x1xi32>
    %get3A_13 = arith.constant 0 : index
    %get3A_14 = arith.constant 0 : index
    %get3A_15 = arith.constant 0 : index
    %get3A_16 = arith.constant 0 : index
    %get3A_17 = vector.load %arg4[%get3A_13, %get3A_14, %get3A_15, %get3A_16] : memref<1x1x2000x1xi32, #tpu.memory_space<vmem>>, vector<1x1x2000x1xi32>
    %get3A_18 = vector.shape_cast %get3A_17 : vector<1x1x2000x1xi32> to vector<2000x1xi32>
    %mul3A = arith.constant 2000 : i32
    %mul3A_19 = arith.muli %arg1, %mul3A : i32
    %iota3A = tpu.iota {dimensions = array<i32: 0>} : vector<2000x1xi32>
    %add3A = vector.broadcast %mul3A_19 : i32 to vector<2000x1xi32>
    %add3A_20 = arith.addi %add3A, %iota3A : vector<2000x1xi32>
    %gt3A = vector.broadcast %slice3A : vector<1x1xi32> to vector<2000x1xi32>
    %gt3A_21 = arith.cmpi sgt, %get3A_12, %gt3A : vector<2000x1xi32>
    %gt3A_22 = arith.constant 0 : i32
    %gt3A_23 = vector.broadcast %gt3A_22 : i32 to vector<2000x1xi32>
    %gt3A_24 = arith.cmpi sgt, %get3A_12, %gt3A_23 : vector<2000x1xi32>
    %and3A = arith.andi %gt3A_21, %gt3A_24 : vector<2000x1xi1>
    %eq3A = vector.broadcast %slice3A : vector<1x1xi32> to vector<2000x1xi32>
    %eq3A_25 = arith.cmpi eq, %get3A_12, %eq3A : vector<2000x1xi32>
    %lt3A = vector.broadcast %slice3A_4 : vector<1x1xi32> to vector<2000x1xi32>
    %lt3A_26 = arith.cmpi slt, %add3A_20, %lt3A : vector<2000x1xi32>
    %and3A_27 = arith.andi %eq3A_25, %lt3A_26 : vector<2000x1xi1>
    %gt3A_28 = arith.constant 0 : i32
    %gt3A_29 = vector.broadcast %gt3A_28 : i32 to vector<2000x1xi32>
    %gt3A_30 = arith.cmpi sgt, %get3A_12, %gt3A_29 : vector<2000x1xi32>
    %and3A_31 = arith.andi %and3A_27, %gt3A_30 : vector<2000x1xi1>
    %or3A = arith.ori %and3A, %and3A_31 : vector<2000x1xi1>
    %gt3A_32 = vector.broadcast %slice3A_5 : vector<1x1xi32> to vector<2000x1xi32>
    %gt3A_33 = arith.cmpi sgt, %get3A_18, %gt3A_32 : vector<2000x1xi32>
    %gt3A_34 = arith.constant 0 : i32
    %gt3A_35 = vector.broadcast %gt3A_34 : i32 to vector<2000x1xi32>
    %gt3A_36 = arith.cmpi sgt, %get3A_18, %gt3A_35 : vector<2000x1xi32>
    %and3A_37 = arith.andi %gt3A_33, %gt3A_36 : vector<2000x1xi1>
    %eq3A_38 = vector.broadcast %slice3A_5 : vector<1x1xi32> to vector<2000x1xi32>
    %eq3A_39 = arith.cmpi eq, %get3A_18, %eq3A_38 : vector<2000x1xi32>
    %lt3A_40 = vector.broadcast %slice3A_6 : vector<1x1xi32> to vector<2000x1xi32>
    %lt3A_41 = arith.cmpi slt, %add3A_20, %lt3A_40 : vector<2000x1xi32>
    %and3A_42 = arith.andi %eq3A_39, %lt3A_41 : vector<2000x1xi1>
    %gt3A_43 = arith.constant 0 : i32
    %gt3A_44 = vector.broadcast %gt3A_43 : i32 to vector<2000x1xi32>
    %gt3A_45 = arith.cmpi sgt, %get3A_18, %gt3A_44 : vector<2000x1xi32>
    %and3A_46 = arith.andi %and3A_42, %gt3A_45 : vector<2000x1xi1>
    %or3A_47 = arith.ori %and3A_37, %and3A_46 : vector<2000x1xi1>
    %get3A_48 = arith.constant 0 : index
    %get3A_49 = arith.constant 0 : index
    %get3A_50 = arith.constant 0 : index
    %get3A_51 = arith.constant 0 : index
    %get3A_52 = vector.load %arg5[%get3A_48, %get3A_49, %get3A_50, %get3A_51] : memref<1x1x2000x5xf32, #tpu.memory_space<vmem>>, vector<1x1x2000x5xf32>
    %get3A_53 = vector.shape_cast %get3A_52 : vector<1x1x2000x5xf32> to vector<2000x5xf32>
    %slice3A_54 = vector.extract_strided_slice %get3A_53 {offsets = [0, 0], sizes = [2000, 1], strides = [1, 1]} : vector<2000x5xf32> to vector<2000x1xf32>
    %jit3A = arith.constant 0.000000e+00 : f32
    %jit3A_55 = arith.constant -1.000000e+00 : f32
    %broadcast_in_dim3A = vector.broadcast %jit3A : f32 to vector<2000x1xf32>
    %broadcast_in_dim3A_56 = vector.broadcast %jit3A_55 : f32 to vector<2000x1xf32>
    %select_n3A = arith.select %or3A_47, %broadcast_in_dim3A, %broadcast_in_dim3A_56 : vector<2000x1xi1>, vector<2000x1xf32>
    %select_n3A_57 = arith.select %or3A, %slice3A_54, %select_n3A : vector<2000x1xi1>, vector<2000x1xf32>
    %iota3A_58 = tpu.iota {dimensions = array<i32: 1>} : vector<2000x81xi32>
    %convert_element_type3A = arith.sitofp %iota3A_58 : vector<2000x81xi32> to vector<2000x81xf32>
    %eq3A_59 = vector.broadcast %select_n3A_57 : vector<2000x1xf32> to vector<2000x81xf32>
    %eq3A_60 = arith.cmpf oeq, %convert_element_type3A, %eq3A_59 : vector<2000x81xf32>
    %convert_element_type3A_61 = arith.extui %eq3A_60 : vector<2000x81xi1> to vector<2000x81xi32>
    %convert_element_type3A_62 = arith.sitofp %convert_element_type3A_61 : vector<2000x81xi32> to vector<2000x81xf32>
    %swap3A = arith.constant 0 : index
    %swap3A_63 = arith.constant 0 : index
    %swap3A_64 = arith.constant 0 : index
    %swap3A_65 = vector.load %arg7[%swap3A, %swap3A_63, %swap3A_64] : memref<1x2000x81xf32, #tpu.memory_space<vmem>>, vector<1x2000x81xf32>
    %swap3A_66 = vector.shape_cast %swap3A_65 : vector<1x2000x81xf32> to vector<2000x81xf32>
    %swap3A_67 = vector.shape_cast %convert_element_type3A_62 : vector<2000x81xf32> to vector<1x2000x81xf32>
    tpu.vector_store %arg7[%swap3A, %swap3A_63, %swap3A_64], %swap3A_67 {strides = array<i32>} : memref<1x2000x81xf32, #tpu.memory_space<vmem>>, vector<1x2000x81xf32>,
    %get3A_68 = arith.constant 0 : index
    %get3A_69 = arith.constant 0 : index
    %get3A_70 = arith.constant 0 : index
    %get3A_71 = arith.constant 0 : index
    %get3A_72 = vector.load %arg2[%get3A_68, %get3A_69, %get3A_70, %get3A_71] : memref<1x1x2000x4xf32, #tpu.memory_space<vmem>>, vector<1x1x2000x4xf32>
    %get3A_73 = vector.shape_cast %get3A_72 : vector<1x1x2000x4xf32> to vector<2000x4xf32>
    %slice3A_74 = vector.extract_strided_slice %get3A_73 {offsets = [0, 3], sizes = [2000, 1], strides = [1, 1]} : vector<2000x4xf32> to vector<2000x1xf32>
    %slice3A_75 = vector.extract_strided_slice %get3A_73 {offsets = [0, 1], sizes = [2000, 1], strides = [1, 1]} : vector<2000x4xf32> to vector<2000x1xf32>
    %sub3A = arith.subf %slice3A_74, %slice3A_75 : vector<2000x1xf32>
    %slice3A_76 = vector.extract_strided_slice %get3A_73 {offsets = [0, 2], sizes = [2000, 1], strides = [1, 1]} : vector<2000x4xf32> to vector<2000x1xf32>
    %slice3A_77 = vector.extract_strided_slice %get3A_73 {offsets = [0, 0], sizes = [2000, 1], strides = [1, 1]} : vector<2000x4xf32> to vector<2000x1xf32>
    %sub3A_78 = arith.subf %slice3A_76, %slice3A_77 : vector<2000x1xf32>
    %slice3A_79 = vector.extract_strided_slice %get3A_73 {offsets = [0, 1], sizes = [2000, 1], strides = [1, 1]} : vector<2000x4xf32> to vector<2000x1xf32>
    %mul3A_80 = arith.constant 5.000000e-01 : f32
    %mul3A_81 = vector.broadcast %mul3A_80 : f32 to vector<2000x1xf32>
    %mul3A_82 = arith.mulf %mul3A_81, %sub3A : vector<2000x1xf32>
    %add3A_83 = arith.addf %slice3A_79, %mul3A_82 : vector<2000x1xf32>
    %slice3A_84 = vector.extract_strided_slice %get3A_73 {offsets = [0, 0], sizes = [2000, 1], strides = [1, 1]} : vector<2000x4xf32> to vector<2000x1xf32>
    %mul3A_85 = arith.constant 5.000000e-01 : f32
    %mul3A_86 = vector.broadcast %mul3A_85 : f32 to vector<2000x1xf32>
    %mul3A_87 = arith.mulf %mul3A_86, %sub3A_78 : vector<2000x1xf32>
    %add3A_88 = arith.addf %slice3A_84, %mul3A_87 : vector<2000x1xf32>
    %slice3A_89 = vector.extract_strided_slice %get3A_53 {offsets = [0, 1], sizes = [2000, 4], strides = [1, 1]} : vector<2000x5xf32> to vector<2000x4xf32>
    %jit3A_90 = arith.constant 0.000000e+00 : f32
    %broadcast_in_dim3A_91 = vector.shape_cast %or3A : vector<2000x1xi1> to vector<2000x1xi1>
    %broadcast_in_dim3A_92 = vector.broadcast %broadcast_in_dim3A_91 : vector<2000x1xi1> to vector<2000x4xi1>
    %broadcast_in_dim3A_93 = vector.broadcast %jit3A_90 : f32 to vector<2000x4xf32>
    %select_n3A_94 = arith.select %broadcast_in_dim3A_92, %slice3A_89, %broadcast_in_dim3A_93 : vector<2000x4xi1>, vector<2000x4xf32>
    %slice3A_95 = vector.extract_strided_slice %select_n3A_94 {offsets = [0, 3], sizes = [2000, 1], strides = [1, 1]} : vector<2000x4xf32> to vector<2000x1xf32>
    %slice3A_96 = vector.extract_strided_slice %select_n3A_94 {offsets = [0, 1], sizes = [2000, 1], strides = [1, 1]} : vector<2000x4xf32> to vector<2000x1xf32>
    %sub3A_97 = arith.subf %slice3A_95, %slice3A_96 : vector<2000x1xf32>
    %slice3A_98 = vector.extract_strided_slice %select_n3A_94 {offsets = [0, 2], sizes = [2000, 1], strides = [1, 1]} : vector<2000x4xf32> to vector<2000x1xf32>
    %slice3A_99 = vector.extract_strided_slice %select_n3A_94 {offsets = [0, 0], sizes = [2000, 1], strides = [1, 1]} : vector<2000x4xf32> to vector<2000x1xf32>
    %sub3A_100 = arith.subf %slice3A_98, %slice3A_99 : vector<2000x1xf32>
    %slice3A_101 = vector.extract_strided_slice %select_n3A_94 {offsets = [0, 1], sizes = [2000, 1], strides = [1, 1]} : vector<2000x4xf32> to vector<2000x1xf32>
    %mul3A_102 = arith.constant 5.000000e-01 : f32
    %mul3A_103 = vector.broadcast %mul3A_102 : f32 to vector<2000x1xf32>
    %mul3A_104 = arith.mulf %mul3A_103, %sub3A_97 : vector<2000x1xf32>
    %add3A_105 = arith.addf %slice3A_101, %mul3A_104 : vector<2000x1xf32>
    %slice3A_106 = vector.extract_strided_slice %select_n3A_94 {offsets = [0, 0], sizes = [2000, 1], strides = [1, 1]} : vector<2000x4xf32> to vector<2000x1xf32>
    %mul3A_107 = arith.constant 5.000000e-01 : f32
    %mul3A_108 = vector.broadcast %mul3A_107 : f32 to vector<2000x1xf32>
    %mul3A_109 = arith.mulf %mul3A_108, %sub3A_100 : vector<2000x1xf32>
    %add3A_110 = arith.addf %slice3A_106, %mul3A_109 : vector<2000x1xf32>
    %eq3A_111 = arith.constant 0.000000e+00 : f32
    %eq3A_112 = vector.broadcast %eq3A_111 : f32 to vector<2000x1xf32>
    %eq3A_113 = arith.cmpf oeq, %sub3A, %eq3A_112 : vector<2000x1xf32>
    %jit3A_114 = arith.constant 1.000000e-03 : f32
    %broadcast_in_dim3A_115 = vector.broadcast %jit3A_114 : f32 to vector<2000x1xf32>
    %select_n3A_116 = arith.select %eq3A_113, %broadcast_in_dim3A_115, %sub3A : vector<2000x1xi1>, vector<2000x1xf32>
    %eq3A_117 = arith.constant 0.000000e+00 : f32
    %eq3A_118 = vector.broadcast %eq3A_117 : f32 to vector<2000x1xf32>
    %eq3A_119 = arith.cmpf oeq, %sub3A_78, %eq3A_118 : vector<2000x1xf32>
    %jit3A_120 = arith.constant 1.000000e-03 : f32
    %broadcast_in_dim3A_121 = vector.broadcast %jit3A_120 : f32 to vector<2000x1xf32>
    %select_n3A_122 = arith.select %eq3A_119, %broadcast_in_dim3A_121, %sub3A_78 : vector<2000x1xi1>, vector<2000x1xf32>
    %eq3A_123 = arith.constant 0.000000e+00 : f32
    %eq3A_124 = vector.broadcast %eq3A_123 : f32 to vector<2000x1xf32>
    %eq3A_125 = arith.cmpf oeq, %sub3A_97, %eq3A_124 : vector<2000x1xf32>
    %jit3A_126 = arith.constant 1.000000e+00 : f32
    %broadcast_in_dim3A_127 = vector.broadcast %jit3A_126 : f32 to vector<2000x1xf32>
    %select_n3A_128 = arith.select %eq3A_125, %broadcast_in_dim3A_127, %sub3A_97 : vector<2000x1xi1>, vector<2000x1xf32>
    %eq3A_129 = arith.constant 0.000000e+00 : f32
    %eq3A_130 = vector.broadcast %eq3A_129 : f32 to vector<2000x1xf32>
    %eq3A_131 = arith.cmpf oeq, %sub3A_100, %eq3A_130 : vector<2000x1xf32>
    %jit3A_132 = arith.constant 1.000000e+00 : f32
    %broadcast_in_dim3A_133 = vector.broadcast %jit3A_132 : f32 to vector<2000x1xf32>
    %select_n3A_134 = arith.select %eq3A_131, %broadcast_in_dim3A_133, %sub3A_100 : vector<2000x1xi1>, vector<2000x1xf32>
    %broadcast_in_dim3A_135 = arith.constant 0.000000e+00 : f32
    %broadcast_in_dim3A_136 = vector.broadcast %broadcast_in_dim3A_135 : f32 to vector<2000x1xf32>
    %eq3A_137 = arith.constant 0.000000e+00 : f32
    %eq3A_138 = vector.broadcast %eq3A_137 : f32 to vector<2000x1xf32>
    %eq3A_139 = arith.cmpf oeq, %sub3A_97, %eq3A_138 : vector<2000x1xf32>
    %sub3A_140 = arith.subf %add3A_105, %add3A_83 : vector<2000x1xf32>
    %div3A = arith.divf %sub3A_140, %select_n3A_116 : vector<2000x1xf32>
    %select_n3A_141 = arith.select %eq3A_139, %broadcast_in_dim3A_136, %div3A : vector<2000x1xi1>, vector<2000x1xf32>
    %eq3A_142 = arith.constant 0.000000e+00 : f32
    %eq3A_143 = vector.broadcast %eq3A_142 : f32 to vector<2000x1xf32>
    %eq3A_144 = arith.cmpf oeq, %sub3A_100, %eq3A_143 : vector<2000x1xf32>
    %sub3A_145 = arith.subf %add3A_110, %add3A_88 : vector<2000x1xf32>
    %div3A_146 = arith.divf %sub3A_145, %select_n3A_122 : vector<2000x1xf32>
    %select_n3A_147 = arith.select %eq3A_144, %broadcast_in_dim3A_136, %div3A_146 : vector<2000x1xi1>, vector<2000x1xf32>
    %eq3A_148 = arith.constant 0.000000e+00 : f32
    %eq3A_149 = vector.broadcast %eq3A_148 : f32 to vector<2000x1xf32>
    %eq3A_150 = arith.cmpf oeq, %sub3A_97, %eq3A_149 : vector<2000x1xf32>
    %div3A_151 = arith.divf %select_n3A_128, %select_n3A_116 : vector<2000x1xf32>
    %log3A = math.log %div3A_151 : vector<2000x1xf32>
    %select_n3A_152 = arith.select %eq3A_150, %broadcast_in_dim3A_136, %log3A : vector<2000x1xi1>, vector<2000x1xf32>
    %eq3A_153 = arith.constant 0.000000e+00 : f32
    %eq3A_154 = vector.broadcast %eq3A_153 : f32 to vector<2000x1xf32>
    %eq3A_155 = arith.cmpf oeq, %sub3A_100, %eq3A_154 : vector<2000x1xf32>
    %div3A_156 = arith.divf %select_n3A_134, %select_n3A_122 : vector<2000x1xf32>
    %log3A_157 = math.log %div3A_156 : vector<2000x1xf32>
    %select_n3A_158 = arith.select %eq3A_155, %broadcast_in_dim3A_136, %log3A_157 : vector<2000x1xi1>, vector<2000x1xf32>
    %iota3A_159 = tpu.iota {dimensions = array<i32: 1>} : vector<2000x324xi32>
    %jit3A_160 = arith.constant 4 : i32
    %eq3A_161 = arith.constant 0 : i32
    %eq3A_162 = arith.cmpi eq, %jit3A_160, %eq3A_161 : i32
    %jit3A_163 = arith.constant 1 : i32
    %select_n3A_164 = arith.select %eq3A_162, %jit3A_163, %jit3A_160 : i32
    %rem3A = vector.broadcast %select_n3A_164 : i32 to vector<2000x324xi32>
    %rem3A_165 = arith.remsi %iota3A_159, %rem3A : vector<2000x324xi32>
    %ne3A = arith.constant 0 : i32
    %ne3A_166 = vector.broadcast %ne3A : i32 to vector<2000x324xi32>
    %ne3A_167 = arith.cmpi ne, %rem3A_165, %ne3A_166 : vector<2000x324xi32>
    %lt3A_168 = arith.constant 0 : i32
    %lt3A_169 = vector.broadcast %lt3A_168 : i32 to vector<2000x324xi32>
    %lt3A_170 = arith.cmpi slt, %rem3A_165, %lt3A_169 : vector<2000x324xi32>
    %lt3A_171 = arith.constant 0 : i32
    %lt3A_172 = arith.cmpi slt, %select_n3A_164, %lt3A_171 : i32
    %ne3A_173 = vector.broadcast %lt3A_172 : i1 to vector<2000x324xi1>
    %ne3A_174 = vector.broadcast %ne3A_173 : vector<2000x324xi1> to vector<2000x324xi1>
    %ne3A_175 = arith.xori %lt3A_170, %ne3A_174 : vector<2000x324xi1>
    %and3A_176 = arith.andi %ne3A_175, %ne3A_167 : vector<2000x324xi1>
    %add3A_177 = vector.broadcast %select_n3A_164 : i32 to vector<2000x324xi32>
    %add3A_178 = arith.addi %rem3A_165, %add3A_177 : vector<2000x324xi32>
    %select_n3A_179 = arith.select %and3A_176, %add3A_178, %rem3A_165 : vector<2000x324xi1>, vector<2000x324xi32>
    %eq3A_180 = arith.constant 0 : i32
    %eq3A_181 = vector.broadcast %eq3A_180 : i32 to vector<2000x324xi32>
    %eq3A_182 = arith.cmpi eq, %select_n3A_179, %eq3A_181 : vector<2000x324xi32>
    %eq3A_183 = arith.constant 1 : i32
    %eq3A_184 = vector.broadcast %eq3A_183 : i32 to vector<2000x324xi32>
    %eq3A_185 = arith.cmpi eq, %select_n3A_179, %eq3A_184 : vector<2000x324xi32>
    %eq3A_186 = arith.constant 2 : i32
    %eq3A_187 = vector.broadcast %eq3A_186 : i32 to vector<2000x324xi32>
    %eq3A_188 = arith.cmpi eq, %select_n3A_179, %eq3A_187 : vector<2000x324xi32>
    %broadcast_in_dim3A_189 = vector.shape_cast %select_n3A_158 : vector<2000x1xf32> to vector<2000x1xf32>
    %broadcast_in_dim3A_190 = vector.broadcast %broadcast_in_dim3A_189 : vector<2000x1xf32> to vector<2000x324xf32>
    %broadcast_in_dim3A_191 = vector.shape_cast %select_n3A_152 : vector<2000x1xf32> to vector<2000x1xf32>
    %broadcast_in_dim3A_192 = vector.broadcast %broadcast_in_dim3A_191 : vector<2000x1xf32> to vector<2000x324xf32>
    %select_n3A_193 = arith.select %eq3A_188, %broadcast_in_dim3A_190, %broadcast_in_dim3A_192 : vector<2000x324xi1>, vector<2000x324xf32>
    %broadcast_in_dim3A_194 = vector.shape_cast %select_n3A_141 : vector<2000x1xf32> to vector<2000x1xf32>
    %broadcast_in_dim3A_195 = vector.broadcast %broadcast_in_dim3A_194 : vector<2000x1xf32> to vector<2000x324xf32>
    %select_n3A_196 = arith.select %eq3A_185, %broadcast_in_dim3A_195, %select_n3A_193 : vector<2000x324xi1>, vector<2000x324xf32>
    %broadcast_in_dim3A_197 = vector.shape_cast %select_n3A_147 : vector<2000x1xf32> to vector<2000x1xf32>
    %broadcast_in_dim3A_198 = vector.broadcast %broadcast_in_dim3A_197 : vector<2000x1xf32> to vector<2000x324xf32>
    %select_n3A_199 = arith.select %eq3A_182, %broadcast_in_dim3A_198, %select_n3A_196 : vector<2000x324xi1>, vector<2000x324xf32>
    %jit3A_200 = arith.constant 4 : i32
    %div3A_201 = vector.broadcast %jit3A_200 : i32 to vector<2000x324xi32>
    %div3A_202 = arith.divsi %iota3A_159, %div3A_201 : vector<2000x324xi32>
    %sign3A = arith.constant 0 : i32
    %sign3A_203 = vector.broadcast %sign3A : i32 to vector<2000x324xi32>
    %sign3A_204 = arith.cmpi sgt, %iota3A_159, %sign3A_203 : vector<2000x324xi32>
    %sign3A_205 = arith.extui %sign3A_204 : vector<2000x324xi1> to vector<2000x324xi32>
    %sign3A_206 = arith.constant 0 : i32
    %sign3A_207 = vector.broadcast %sign3A_206 : i32 to vector<2000x324xi32>
    %sign3A_208 = arith.cmpi slt, %iota3A_159, %sign3A_207 : vector<2000x324xi32>
    %sign3A_209 = arith.extui %sign3A_208 : vector<2000x324xi1> to vector<2000x324xi32>
    %sign3A_210 = arith.subi %sign3A_205, %sign3A_209 : vector<2000x324xi32>
    %sign3A_211 = arith.constant 0 : i32
    %sign3A_212 = arith.cmpi sgt, %jit3A_200, %sign3A_211 : i32
    %sign3A_213 = arith.extui %sign3A_212 : i1 to i32
    %sign3A_214 = arith.constant 0 : i32
    %sign3A_215 = arith.cmpi slt, %jit3A_200, %sign3A_214 : i32
    %sign3A_216 = arith.extui %sign3A_215 : i1 to i32
    %sign3A_217 = arith.subi %sign3A_213, %sign3A_216 : i32
    %ne3A_218 = vector.broadcast %sign3A_217 : i32 to vector<2000x324xi32>
    %ne3A_219 = arith.cmpi ne, %sign3A_210, %ne3A_218 : vector<2000x324xi32>
    %rem3A_220 = vector.broadcast %jit3A_200 : i32 to vector<2000x324xi32>
    %rem3A_221 = arith.remsi %iota3A_159, %rem3A_220 : vector<2000x324xi32>
    %ne3A_222 = arith.constant 0 : i32
    %ne3A_223 = vector.broadcast %ne3A_222 : i32 to vector<2000x324xi32>
    %ne3A_224 = arith.cmpi ne, %rem3A_221, %ne3A_223 : vector<2000x324xi32>
    %and3A_225 = arith.andi %ne3A_219, %ne3A_224 : vector<2000x324xi1>
    %sub3A_226 = arith.constant 1 : i32
    %sub3A_227 = vector.broadcast %sub3A_226 : i32 to vector<2000x324xi32>
    %sub3A_228 = arith.subi %div3A_202, %sub3A_227 : vector<2000x324xi32>
    %select_n3A_229 = arith.select %and3A_225, %sub3A_228, %div3A_202 : vector<2000x324xi1>, vector<2000x324xi32>
    %convert_element_type3A_230 = arith.sitofp %select_n3A_229 : vector<2000x324xi32> to vector<2000x324xf32>
    %eq3A_231 = vector.broadcast %select_n3A_57 : vector<2000x1xf32> to vector<2000x324xf32>
    %eq3A_232 = arith.cmpf oeq, %convert_element_type3A_230, %eq3A_231 : vector<2000x324xf32>
    %jit3A_233 = arith.constant 0.000000e+00 : f32
    %broadcast_in_dim3A_234 = vector.broadcast %jit3A_233 : f32 to vector<2000x324xf32>
    %select_n3A_235 = arith.select %eq3A_232, %select_n3A_199, %broadcast_in_dim3A_234 : vector<2000x324xi1>, vector<2000x324xf32>
    %swap3A_236 = arith.constant 0 : index
    %swap3A_237 = arith.constant 0 : index
    %swap3A_238 = arith.constant 0 : index
    %swap3A_239 = vector.load %arg8[%swap3A_236, %swap3A_237, %swap3A_238] : memref<1x2000x324xf32, #tpu.memory_space<vmem>>, vector<1x2000x324xf32>
    %swap3A_240 = vector.shape_cast %swap3A_239 : vector<1x2000x324xf32> to vector<2000x324xf32>
    %swap3A_241 = vector.shape_cast %select_n3A_235 : vector<2000x324xf32> to vector<1x2000x324xf32>
    tpu.vector_store %arg8[%swap3A_236, %swap3A_237, %swap3A_238], %swap3A_241 {strides = array<i32>} : memref<1x2000x324xf32, #tpu.memory_space<vmem>>, vector<1x2000x324xf32>,
    return
  }
  func.func @transform_0(%arg0: i32, %arg1: i32) -> (i32, i32, i32, i32) {
    %c0_i32 = arith.constant 0 : i32
    %c0_i32_0 = arith.constant 0 : i32
    %c0_i32_1 = arith.constant 0 : i32
    return %arg0, %arg1, %c0_i32, %c0_i32_0 : i32, i32, i32, i32
  }
  func.func @transform_1(%arg0: i32, %arg1: i32) -> (i32, i32, i32, i32) {
    %c0_i32 = arith.constant 0 : i32
    %c0_i32_0 = arith.constant 0 : i32
    %c0_i32_1 = arith.constant 0 : i32
    return %arg0, %arg1, %c0_i32, %c0_i32_0 : i32, i32, i32, i32
  }
  func.func @transform_2(%arg0: i32, %arg1: i32) -> (i32, i32, i32, i32) {
    %c0_i32 = arith.constant 0 : i32
    %c0_i32_0 = arith.constant 0 : i32
    %c0_i32_1 = arith.constant 0 : i32
    return %arg0, %arg1, %c0_i32, %c0_i32_0 : i32, i32, i32, i32
  }
  func.func @transform_3(%arg0: i32, %arg1: i32) -> (i32, i32, i32, i32) {
    %c0_i32 = arith.constant 0 : i32
    %c0_i32_0 = arith.constant 0 : i32
    %c0_i32_1 = arith.constant 0 : i32
    return %arg0, %arg1, %c0_i32, %c0_i32_0 : i32, i32, i32, i32
  }
  func.func @transform_4(%arg0: i32, %arg1: i32) -> (i32, i32, i32) {
    %c0_i32 = arith.constant 0 : i32
    %c0_i32_0 = arith.constant 0 : i32
    %c0_i32_1 = arith.constant 0 : i32
    return %arg0, %c0_i32, %c0_i32_0 : i32, i32, i32
  }
  func.func @transform_5(%arg0: i32, %arg1: i32) -> (i32, i32, i32) {
    %c0_i32 = arith.constant 0 : i32
    %c0_i32_0 = arith.constant 0 : i32
    return %arg0, %arg1, %c0_i32 : i32, i32, i32
  }
  func.func @transform_6(%arg0: i32, %arg1: i32) -> (i32, i32, i32) {
    %c0_i32 = arith.constant 0 : i32
    %c0_i32_0 = arith.constant 0 : i32
    return %arg0, %arg1, %c0_i32 : i32, i32, i32
  }
}

</mosaic_0001>

<sc_bundles>
// kernel: sparse-core-data-format-call.cloned.1.call-start
scs
called_computation_lowered:
.L_overlay_start_0:
0x0: {  	s2 =	sld [smem:$0x3FD9]  }
0x1: {  	s3 =	sld [smem:$0x3FFE];
	_ =	sdelay $0x1  }
0x2: {  	s1 =	srdreg.scid  }
0x3: {  	s0 =	sand.u32 $0x1, s1  }
0x4: {  	s15 =	sshll.u32 s0, $0xA;
	s2 =	sadd.s32 s3, s2  }
0x5: {  	s2 =	sadd.s32 s2, s15  }
0x6: {  	[smem:$0x3FC5] =	sst s2  }
0x7: {  	_ = 	snop  }
0x8: {  	s2 =	sld [smem:$0x3FD0];
	_ =	sdelay $0x2  }
0x9: {  	s16 =	simm.s32 $0xA;
	s4 =	simm.s32 $0x10  }
0xa: {  	[smem:s4], [sflag:s16] =	dma.local [hbm:s2], $0x1  }
0xb: {  	_ =	swait.eq [sflag:s16], $0x1  }
0xc: {  	[sflag:s16] =	ssyncset.done $0x0  }
0xd: {  	[sflag:s16] =	ssyncadd.s32 $0xFFFFFFFF  }
0xe: {  	s17 =	sld [smem:$0x10];
	(tm) =	ssettm $0x1  }
0xf: {  	s18 =	sld [smem:$0x3FFB];
	_ =	sdelay $0x3  }
0x10: {  	_ =	strace s18  }
0x11: {  	s3 =	sld [smem:$0x3FFC];
	_ =	sdelay $0x3  }
0x12: {  	_ =	strace s3  }
0x13: {  	s3 =	sld [smem:$0x3FFD];
	_ =	sdelay $0x3  }
0x14: {  	_ =	strace s3  }
0x15: {  	_ =	strace $0x8FFFFFFF  }
0x16: {  	s19 =	sld [smem:$0x3FDB];
	_ =	sdelay $0x1  }
0x17: {  	s20 =	simm.s32 $_scs_section_size  }
0x18: {  	s5 =	simm.s32 $_size__tile_overlayer_lowered;
	s6 =	simm.s32 $_tile_overlayer_lowered  }
0x19: {  	s23 =	simm.s32 $0x1BFF;
	s22 =	sshll.u32 s6, $0x1;
	s3 =	sadd.s32 s20, s19  }
0x1a: {  	s7 =	simm.s32 $0x0;
	s21 =	sshll.u32 s5, $0x1;
	s5 =	sadd.s32 s22, s3  }
0x1b: {  	[timem:s7], [sflag:s23] =	dma.local [hbm:s5], s21  }
0x1c: {  	_ =	swait.ge [sflag:s23], s21  }
0x1d: {  	s4 =	ssub.s32 $0x0, s21;
	[sflag:s23] =	ssyncset.done $0x0  }
0x1e: {  	[sflag:s23] =	ssyncadd.s32 s4;
	_ =	sdelay $0x1  }
0x1f: {  	s24 =	simm.s32 $0x1B8B  }
0x20: {  	_ =	swait.ge [sflag:s24], $0x1  }
0x21: {  	[sflag:s24] =	ssyncset.done $0x0  }
0x22: {  	s26 =	simm.s32 $0x1B8E;
	s25 =	sld [smem:$0x3FFE];
	[sflag:s24] =	ssyncadd.s32 $0xFFFFFFFF  }
0x23: {  	s27 =	simm.s32 $execute0_lowered;
	[smem:$0x3FD2] =	sst s26  }
0x24: {  	s5 =	sshll.u32 s27, $0x1;
	_ =	strace $0x80000046;
	[dreg:$0x1] =	wrdreg $0xFFFFFFFF  }
0x25: {  	s28 =	simm.s32 $_size_execute0_lowered;
	s3 =	sadd.s32 s3, s5;
	[dreg:$0x0] =	wrdreg $0x0  }
0x26: {  	s5 =	sshll.u32 s28, $0x1;
	[dreg:$0x2] =	wrdreg s3  }
0x27: {  	[dreg:$0x3] =	wrdreg s5  }
0x28: {  	[dreg:$0x4] =	wrdreg $0xC0  }
0x29: {  	_ =	task [dreg:s7], $0x5FFFF  }
0x2a: {  	[dreg:$0x1] =	wrdreg $0xFFFFFFFF  }
0x2b: {  	[dreg:$0x0] =	wrdreg $0x60  }
0x2c: {  	[dreg:$0x2] =	wrdreg s25  }
0x2d: {  	[dreg:$0x3] =	wrdreg s17  }
0x2e: {  	[dreg:$0x4] =	wrdreg $0x9  }
0x2f: {  	_ =	task.clear_ibuf [dreg:s7], $0x5FFFF;
	_ =	strace $0x90000046  }
0x30: {  	s29 =	simm.s32 $0x9;
	_ =	strace $0x80000048  }
0x31: {  	_ =	swait.ge [sflag:s29], $0x1  }
0x32: {  	[sflag:s29] =	ssyncadd.s32 $0xFFFFFFFF  }
0x33: {  	_ =	strace $0x90000048  }
0x34: {  	_ =	sfence  }
0x35: {  	s30 =	sld [smem:$0x0];
	_ =	sdelay $0x2  }
0x36: {  	s31 =	sshll.u32 s1, $0xD;
	s1 =	sshrl.u32 s1, $0x2  }
0x37: {  	s3 =	sand.u32 $0x4000, s31;
	s1 =	sadd.s32 s1, s30  }
0x38: {  	s0 =	sor.u32 s3, s0;
	s1 =	sshll.u32 s1, $0x11  }
0x39: {  	s0 =	sor.u32 s1, s0  }
0x3a: {  	s0 =	sadd.s32 $0x8F2B, s0  }
0x3b: {  	[sflag:s0] =	ssyncadd.remote.s32 $0x1  }
0x3c: {  	_ =	sfence.sel $0xFFFF  }
0x3d: {  	[dreg:$0x0] =	wrdreg $0xFFFFFFFF;
	(pc) =	sbr.abs _section_cstart, $3  }
0x3e: {  	[dreg:$0x1] =	wrdreg $0xFFFFFFFF  }
0x3f: {  	_ =	task.clear_ibuf [dreg:s7], $0x2FFFF;
	_ =	strace $0x9FFFFFFF  }
0x40: {  	(tm) =	ssettm $0x7FFFFFFF  }
0x41: {  	_ =	shalt  }
tec
execute0_lowered:
.L_overlay_start_1:
0x0: {  	(tag) =	ssettag $0x1  }
0x1: {  	s4 =	stileid.u32;
	s0 =	srdreg.scid  }
0x2: {  	s2 =	rddreg [dreg:$0x0];
	_ =	strace $0x80000047;
	s29 =	simm.s32 $0x1  }
0x3: {  	s30 =	simm.s32 $0x2;
	s19 =	simm.s32 $0x0;
	s22 =	simm.s32 $0x0  }
0x4: {  	s20 =	simm.s32 $0x0;
	s1 =	sshll.u32 s4, $0x5;
	s0 =	sshll.u32 s0, $0x9  }
0x5: {  	s21 =	simm.s32 $0x0;
	s10 =	simm.s32 $0x0;
	s0 =	sor.u32 s1, s0  }
0x6: {  	s11 =	simm.s32 $0x0;
	s12 =	simm.s32 $0x0;
	s13 =	sand.u32 $0x380, s0  }
0x7: {  	s14 =	simm.s32 $0x0;
	s16 =	simm.s32 $0x0;
	s0 =	ssub.s32 $0x4E00, s13  }
.Ltmp0:
0x8: {  	s17 =	simm.s32 $0x0;
	s0 =	sshrl.u32 s0, $0xA;
	(pc) =	sbr.rel .LBB1_1-.Ltmp0, $4  }
0x9: {  	s18 =	simm.s32 $0x0;
	s28 =	sadd.s32 $0x13AA00, s2;
	s0 =	smul.u32 $0x3, s0  }
0xa: {  	s15 =	sand.u32 $0x3, s4;
	[sflag:s29] =	ssyncpa.u1 $0x0;
	[dreg:$0x3] =	wrdreg s28  }
0xb: {  	[sflag:s30] =	ssyncpa.u1 $0x0;
	[dreg:$0x4] =	wrdreg s13;
	s31 =	sadd.s32 $0x3, s0  }
0xc: {  	s3 =	smov.u32 s15;
	s8 =	sadd.s32 $0x4, s0;
	[dreg:$0x5] =	wrdreg s31  }
.LBB1_14:
0xd: {  	s0 =	sshrl.u32 s12, $0x2  }
0xe: {  	s1 =	sshll.u32 s10, $0x2;
	s0 =	smul.u32 $0x13A00, s0  }
0xf: {  	s2 =	sshll.u32 s12, $0x7;
	s1 =	sand.u32 $0xFFFFFE00, s1  }
0x10: {  	s9 =	sand.u32 $0x180, s2;
	s0 =	sadd.s32 s0, s1  }
0x11: {  	s25 =	sand.u32 $0x7F, s10;
	s0 =	sor.u32 s9, s0  }
0x12: {  	s1 =	sor.u32 s25, s0  }
0x13: {  	s2 =	smulhi.u32 $0x342DA7F3, s1  }
0x14: {  	s0 =	smulhi.u32 $0x342DA7F3, s0  }
0x15: {  	s4 =	smul.u32 $0x2740, s14;
	s2 =	sshrl.u32 s2, $0xC  }
0x16: {  	s0 =	sshrl.u32 s0, $0xC;
	s2 =	smul.u32 $0x4E80, s2  }
0x17: {  	s5 =	smul.u32 $0xC6B40, s11;
	s26 =	rddreg [dreg:$0x1];
	s0 =	sand.u32 $0x3, s0  }
0x18: {  	s0 =	smul.u32 $0x9D0, s0;
	s1 =	ssub.s32 s1, s2;
	s2 =	sadd.s32 s26, s4  }
0x19: {  	s29 =	sor.u32 $0x8000, s24;
	s2 =	sadd.s32 s5, s2;
	s27 =	sand.u32 $0x7, s1  }
0x1a: {  	s1 =	sshrl.u32 s1, $0x3;
	s0 =	sadd.s32 s0, s2;
	s28 =	sshll.u32 s27, $0x12  }
0x1b: {  	s31 =	simm.s32 $0x13A00;
	s0 =	sadd.s32 s1, s0;
	s30 =	sor.u32 $0x200, s28  }
0x1c: {  	[hbm4b:s0+s30] =	stream.strided.scatter [tilespmem:s29], [sflag:$0x2], s23, s31, s30, $0x38;
	[tilespmem:$0x10000] =	vst v63  }
.LBB1_15:
0x1d: {  	p0 =	slt.u32 s18, $0x2;
	s0 =	smov.u32 s22  }
0x1e: {  	s6 =	smov.u32 s15;
	p1 =	sgt.s32 @!p0 s22, $0x3;
	s1 =	sshra.s32 @!p0 s22, $0x1F  }
0x1f: {  	s2 =	sshra.s32 @!p0 s21, $0x1F;
	p2 =	sgt.s32 @!p0 s19, $0x4E00;
	s5 =	sshra.s32 @!p0 s19, $0x1F  }
0x20: {  	p1 =	por !p1, p0;
	s1 =	sand.u32 @!p0 s1, s22;
	s2 =	sand.u32 @!p0 s2, s21  }
0x21: {  	p2 =	por !p2, p0;
	s0 =	simm.s32 @p1 $0x3;
	p1 =	sgt.s32 @!p0 s21, $0x31  }
0x22: {  	s0 =	ssub.s32 @!p0 s0, s1;
	p1 =	por !p1, p0;
	s1 =	smov.u32 s21  }
0x23: {  	s5 =	sand.u32 @!p0 s5, s19;
	s4 =	sadd.s32 @!p0 $0xFFFFFFFD, s0;
	s1 =	simm.s32 @p1 $0x31  }
0x24: {  	s22 =	smov.u32 s11;
	p1 =	sgt.s32 @!p0 s4, $0x0;
	s1 =	ssub.s32 @!p0 s1, s2  }
0x25: {  	s0 =	ssub.s32 @!p0 $0x4, s0;
	p1 =	por !p1, p0;
	s2 =	sadd.s32 @!p0 $0xFFFFFFCF, s1  }
0x26: {  	s0 =	simm.s32 @!p1 $0x0;
	p1 =	sgt.s32 @!p0 s2, $0x1F;
	s2 =	ssub.s32 @!p0 $0x0, s20  }
0x27: {  	s11 =	smov.u32 s15;
	s4 =	smov.u32 s19;
	s2 =	smin.u32 @!p0 s20, s2  }
0x28: {  	s1 =	ssub.s32 @!p0 $0x51, s1;
	s4 =	simm.s32 @p2 $0x4E00;
	p2 =	sgt.s32 @!p0 s2, $0x3  }
0x29: {  	p1 =	por !p1, p0;
	s2 =	ssub.s32 @!p0 $0x4, s2;
	p2 =	por !p2, p0  }
0x2a: {  	s4 =	ssub.s32 @!p0 s4, s5;
	s1 =	simm.s32 @!p1 $0x0;
	s2 =	simm.s32 @!p2 $0x0  }
0x2b: {  	s5 =	sadd.s32 @!p0 $0xFFFFB200, s4;
	s4 =	ssub.s32 @!p0 $0x4E80, s4;
	s1 =	smul.u32 @!p0 s1, s2  }
0x2c: {  	p1 =	sgt.s32 @!p0 s5, $0x7F;
	s5 =	sadd.s32 $0x4, s15;
	s2 =	sadd.s32 $0x400, s13  }
0x2d: {  	p1 =	por !p1, p0;
	p2 =	sgt.s32 s2, $0x4E1F;
	s0 =	smul.u32 @!p0 s0, s1  }
0x2e: {  	s4 =	simm.s32 @!p1 $0x0;
	s6 =	smov.u32 @p2 s5;
	s1 =	sadd.s32 $0x4, s16  }
0x2f: {  	s5 =	smov.u32 s16;
	p1 =	sgt.s32 s6, $0x3;
	s0 =	smul.u32 @!p0 s4, s0  }
0x30: {  	s5 =	smov.u32 @p1 s1;
	s1 =	rddreg [dreg:$0x4];
	s4 =	smov.u32 s17  }
0x31: {  	s2 =	smov.u32 @p2 s1;
	p2 =	sgt.s32 s5, $0x3;
	s1 =	sadd.s32 $0x20, s17  }
0x32: {  	s21 =	smov.u32 s14;
	s14 =	smov.u32 s17;
	s4 =	smov.u32 @p2 s1  }
0x33: {  	s19 =	smov.u32 s10;
	s6 =	smov.u32 @p1 s3;
	p1 =	sgt.s32 s4, $0x50  }
0x34: {  	s10 =	smov.u32 s13;
	s4 =	simm.s32 @p1 $0x0;
	p1 =	sne.s32 s18, s8  }
.Ltmp1:
0x35: {  	s20 =	smov.u32 s12;
	s12 =	smov.u32 s16;
	(pc) =	sbr.rel @!p1 .LBB1_16-.Ltmp1, $4  }
0x36: {  	s15 =	smov.u32 s6;
	s0 =	sand.u32 @!p0 $0x3FFFFFFF, s0;
	s1 =	simm.s32 @!p0 $0x2  }
0x37: {  	s5 =	simm.s32 @p2 $0x0;
	s13 =	smov.u32 s2;
	_ =	swait.ge @!p0 [sflag:s1], s0  }
0x38: {  	s0 =	ssub.s32 @!p0 $0x0, s0;
	s16 =	smov.u32 s5;
	[sflag:s1] =	ssyncset.done @!p0 $0x0  }
0x39: {  	s18 =	sadd.s32 $0x1, s18;
	[sflag:s1] =	ssyncadd.s32 @!p0 s0;
	s17 =	smov.u32 s4  }
.LBB1_1:
0x3a: {  	s0 =	rddreg [dreg:$0x5]  }
0x3b: {  	p0 =	sge.u32 s18, s0  }
.Ltmp2:
0x3c: {  	_ = 	snop;
	(pc) =	sbr.rel @p0 .LBB1_3-.Ltmp2, $1  }
0x3d: {  	_ =	sdelay $0x3  }
0x3e: {  	s0 =	sshrl.u32 s15, $0x2;
	s1 =	sshll.u32 s13, $0x2;
	s2 =	sshll.u32 s15, $0x7  }
0x3f: {  	s30 =	sand.u32 $0x7F, s13;
	p0 =	sgt.s32 s17, $0x31;
	s0 =	smul.u32 $0x13A00, s0  }
0x40: {  	s4 =	smov.u32 s17;
	s5 =	sshra.s32 s17, $0x1F;
	s1 =	sand.u32 $0xFFFFFE00, s1  }
0x41: {  	s7 =	sxor.u32 $0xFFFFFFFF, s18;
	s29 =	sand.u32 $0x180, s2;
	s0 =	sadd.s32 s0, s1  }
0x42: {  	s6 =	ssub.s32 $0x0, s16;
	s9 =	sshra.s32 s15, $0x1F;
	s0 =	sor.u32 s29, s0  }
0x43: {  	s23 =	sshra.s32 s13, $0x1F;
	s25 =	smul.u32 $0x9D00, s17;
	s1 =	sor.u32 s30, s0  }
0x44: {  	s4 =	simm.s32 @!p0 $0x31;
	s5 =	sand.u32 s5, s17;
	s2 =	smulhi.u32 $0x342DA7F3, s1  }
0x45: {  	s26 =	smul.u32 $0x2740, s16;
	s31 =	sshll.u32 s7, $0xE;
	s4 =	ssub.s32 s4, s5  }
0x46: {  	s7 =	smov.u32 s15;
	s5 =	sadd.s32 $0xFFFFFFCF, s4;
	s2 =	sshrl.u32 s2, $0xC  }
0x47: {  	s4 =	ssub.s32 $0x51, s4;
	p0 =	sgt.s32 s5, $0x1F;
	s2 =	smul.u32 $0x4E80, s2  }
0x48: {  	s9 =	sand.u32 s9, s15;
	s4 =	simm.s32 @p0 $0x0;
	p0 =	sgt.s32 s15, $0x3  }
0x49: {  	s7 =	simm.s32 @!p0 $0x3;
	s1 =	ssub.s32 s1, s2;
	s2 =	smin.u32 s16, s6  }
0x4a: {  	s7 =	ssub.s32 s7, s9;
	p0 =	sgt.s32 s2, $0x3;
	s2 =	ssub.s32 $0x4, s2  }
0x4b: {  	s0 =	smulhi.u32 $0x342DA7F3, s0;
	s9 =	sadd.s32 $0xFFFFFFFD, s7;
	s2 =	simm.s32 @p0 $0x0  }
0x4c: {  	p0 =	sgt.s32 s9, $0x0;
	s2 =	smul.u32 s2, s4;
	s4 =	ssub.s32 $0x4, s7  }
0x4d: {  	s7 =	smov.u32 s13;
	s4 =	simm.s32 @p0 $0x0;
	p0 =	sgt.s32 s13, $0x4E00  }
0x4e: {  	s5 =	sand.u32 $0x4000, s31;
	s9 =	sand.u32 s23, s13;
	s7 =	simm.s32 @!p0 $0x4E00  }
0x4f: {  	s31 =	simm.s32 $0x13A00;
	s0 =	sshrl.u32 s0, $0xC;
	s24 =	ssub.s32 s7, s9  }
0x50: {  	s0 =	sand.u32 $0x3, s0;
	s6 =	rddreg [dreg:$0x3];
	s7 =	sadd.s32 $0xFFFFB200, s24  }
0x51: {  	s2 =	smul.u32 s4, s2;
	s4 =	ssub.s32 $0x4E80, s24;
	p0 =	sgt.s32 s7, $0x7F  }
0x52: {  	s0 =	smul.u32 $0x9D0, s0;
	s9 =	sadd.s32 s6, s25;
	s4 =	simm.s32 @p0 $0x0  }
0x53: {  	s28 =	sand.u32 $0x7, s1;
	s27 =	sadd.s32 s26, s9;
	s2 =	smul.u32 s4, s2  }
0x54: {  	s1 =	sshrl.u32 s1, $0x3;
	s29 =	sshll.u32 s28, $0x12;
	s0 =	sadd.s32 s0, s27  }
0x55: {  	s30 =	sor.u32 $0x80, s29;
	s0 =	sadd.s32 s1, s0;
	s2 =	sand.u32 $0x3FFFFFFF, s2  }
0x56: {  	[tilespmem:s5], [sflag:$0x1] =	stream.strided.gather [hbm4b:s0+s30], s2, s31, s30, $0x38;
	[tilespmem:$0x10000] =	vst v63  }
.LBB1_3:
0x57: {  	p0 =	seq.s32 s18, $0x0  }
0x58: {  	p1 =	sge.u32 @!p0 s18, s8  }
0x59: {  	p0 =	por p0, p1  }
.Ltmp3:
0x5a: {  	_ = 	snop;
	(pc) =	sbr.rel @p0 .LBB1_15-.Ltmp3, $1  }
0x5b: {  	_ =	sdelay $0x3  }
0x5c: {  	p0 =	sgt.s32 s14, $0x31;
	s0 =	smov.u32 s14;
	s1 =	sshra.s32 s14, $0x1F  }
0x5d: {  	s2 =	ssub.s32 $0x0, s12;
	p2 =	sgt.s32 s11, $0x3;
	s4 =	sshra.s32 s11, $0x1F  }
0x5e: {  	s28 =	sshra.s32 s10, $0x1F;
	s0 =	simm.s32 @!p0 $0x31;
	s1 =	sand.u32 s1, s14  }
0x5f: {  	s25 =	smin.u32 s12, s2;
	s2 =	smov.u32 s11;
	s4 =	sand.u32 s4, s11  }
0x60: {  	s0 =	ssub.s32 s0, s1;
	p1 =	sgt.s32 s25, $0x3;
	s2 =	simm.s32 @!p2 $0x3  }
0x61: {  	s1 =	sadd.s32 $0xFFFFFFCF, s0;
	s0 =	ssub.s32 $0x51, s0;
	s2 =	ssub.s32 s2, s4  }
0x62: {  	s4 =	sand.u32 s28, s10;
	p0 =	sgt.s32 s1, $0x1F;
	s1 =	ssub.s32 $0x4, s25  }
0x63: {  	s26 =	sadd.s32 $0xFFFFFFFD, s2;
	s0 =	simm.s32 @p0 $0x0;
	s1 =	simm.s32 @p1 $0x0  }
0x64: {  	p1 =	sgt.s32 s10, $0x4E00;
	s0 =	smul.u32 s1, s0;
	s1 =	smov.u32 s10  }
0x65: {  	s2 =	ssub.s32 $0x4, s2;
	p0 =	sgt.s32 s26, $0x0;
	s1 =	simm.s32 @!p1 $0x4E00  }
0x66: {  	s2 =	simm.s32 @p0 $0x0;
	s1 =	ssub.s32 s1, s4  }
0x67: {  	s0 =	smul.u32 s2, s0;
	s29 =	sadd.s32 $0xFFFFB200, s1  }
0x68: {  	s2 =	sadd.s32 $0x20, s14;
	s1 =	ssub.s32 $0x4E80, s1;
	p0 =	sgt.s32 s29, $0x7F  }
0x69: {  	s4 =	sadd.s32 $0x4, s12;
	s1 =	simm.s32 @p0 $0x0;
	p0 =	slt.s32 s2, $0x51  }
0x6a: {  	s0 =	smul.u32 s1, s0;
	s2 =	simm.s32 @!p0 $0x51;
	p0 =	slt.s32 s4, $0x4  }
0x6b: {  	s1 =	sadd.s32 $0x1, s11;
	s25 =	ssub.s32 s2, s14;
	s4 =	simm.s32 @!p0 $0x4  }
0x6c: {  	p1 =	slt.s32 s1, $0x4;
	s26 =	ssub.s32 s4, s12;
	p0 =	slt.s32 s25, $0x1  }
0x6d: {  	s1 =	simm.s32 @!p1 $0x4;
	p1 =	slt.s32 @!p0 s26, $0x1  }
0x6e: {  	s27 =	ssub.s32 s1, s11;
	p1 =	por p0, p1  }
0x6f: {  	p2 =	slt.s32 @!p1 s27, $0x1  }
0x70: {  	p1 =	por p1, p2  }
.Ltmp4:
0x71: {  	_ = 	snop;
	(pc) =	sbr.rel @p1 .LBB1_14-.Ltmp4, $4  }
0x72: {  	s30 =	simm.s32 $0x1;
	s23 =	sand.u32 $0x3FFFFFFF, s0  }
0x73: {  	_ =	swait.ge [sflag:s30], s23  }
0x74: {  	s31 =	sshll.u32 s18, $0xE;
	s0 =	ssub.s32 $0x0, s23;
	[sflag:s30] =	ssyncset.done $0x0  }
0x75: {  	s24 =	sand.u32 $0x4000, s31;
	[sflag:s30] =	ssyncadd.s32 s0  }
0x76: {  	s0 =	sadd.s32 $0x80, s10  }
0x77: {  	p1 =	slt.s32 s0, $0x4E20  }
.Ltmp5:
0x78: {  	s0 =	simm.s32 @!p1 $0x4E20;
	(pc) =	sbr.rel .LBB1_6-.Ltmp5, $4  }
0x79: {  	s0 =	ssub.s32 s0, s10  }
0x7a: {  	s0 =	sadd.s32 $0xF, s0  }
0x7b: {  	s30 =	sor.u32 @!p0 $0x8000, s24;
	s28 =	sand.u32 $0xFFFFFFF0, s0;
	s7 =	sand.u32 @!p0 $0xFFFFFF00, s0  }
0x7c: {  	s31 =	simm.s32 $0x0;
	p0 =	slt.s32 s0, $0x100;
	p1 =	sge.s32 s7, s28  }
.LBB1_13:
0x7d: {  	s31 =	sadd.s32 $0x1, s31  }
0x7e: {  	p2 =	sne.s32 s31, s25  }
.Ltmp6:
0x7f: {  	_ = 	snop;
	(pc) =	sbr.rel @!p2 .LBB1_14-.Ltmp6, $1  }
0x80: {  	_ =	sdelay $0x3  }
.LBB1_6:
.Ltmp7:
0x81: {  	(pc) =	sbr.rel .LBB1_7-.Ltmp7, $3  }
0x82: {  	_ =	sdelay $0x1  }
0x83: {  	s0 =	sshll.u32 s31, $0x9  }
0x84: {  	s2 =	simm.s32 $0x0;
	s1 =	sadd.s32 s0, s24;
	s0 =	sadd.s32 s0, s30  }
.LBB1_12:
0x85: {  	s2 =	sadd.s32 $0x1, s2  }
0x86: {  	p2 =	sne.s32 s2, s26  }
.Ltmp8:
0x87: {  	_ = 	snop;
	(pc) =	sbr.rel @!p2 .LBB1_13-.Ltmp8, $1  }
0x88: {  	_ =	sdelay $0x3  }
.LBB1_7:
.Ltmp9:
0x89: {  	(pc) =	sbr.rel .LBB1_8-.Ltmp9, $4  }
0x8a: {  	s4 =	sshll.u32 s2, $0x7  }
0x8b: {  	s9 =	sshll.u32 s2, $0x9;
	s5 =	sand.u32 $0x180, s4  }
0x8c: {  	s29 =	sadd.s32 s4, s1;
	s9 =	sshra.s32 s9, $0x2;
	s4 =	sadd.s32 s5, s0  }
0x8d: {  	s9 =	sadd.s32 s9, s1;
	s5 =	simm.s32 $0x0;
	v0 =	vmov s29;
	v1 =	vmov s4  }
.LBB1_11:
0x8e: {  	s5 =	sadd.s32 $0x1, s5  }
0x8f: {  	p2 =	sne.s32 s5, s27  }
.Ltmp10:
0x90: {  	_ = 	snop;
	(pc) =	sbr.rel @!p2 .LBB1_12-.Ltmp10, $1  }
0x91: {  	_ =	sdelay $0x3  }
.LBB1_8:
0x92: {  	_ =	sdelay $0x1  }
0x93: {  	s29 =	sshll.u32 @!p0 s5, $0x7  }
0x94: {  	s29 =	sand.u32 @!p0 $0x180, s29  }
0x95: {  	v2 =	vld.idx.msk @!p0 [tilespmem:v0+s29+$0x0 ss:$0x1], $0xffff  }
0x96: {  	v3 =	vld.idx.msk @!p0 [tilespmem:v0+s29+$0x10 ss:$0x1], $0xffff  }
0x97: {  	v4 =	vld.idx.msk @!p0 [tilespmem:v0+s29+$0x20 ss:$0x1], $0xffff  }
0x98: {  	s6 =	sshll.u32 @!p0 s5, $0x10;
	v5 =	vld.idx.msk @!p0 [tilespmem:v0+s29+$0x30 ss:$0x1], $0xffff  }
0x99: {  	s6 =	sshra.s32 @!p0 s6, $0x2;
	v6 =	vld.idx.msk @!p0 [tilespmem:v0+s29+$0x40 ss:$0x1], $0xffff  }
0x9a: {  	v7 =	vld.idx.msk @!p0 [tilespmem:v0+s29+$0x50 ss:$0x1], $0xffff;
	[tilespmem:v1+s6+$0x0 ss:$0x1] =	vst.idx.msk @!p0 $0xffff, v2  }
0x9b: {  	v2 =	vld.idx.msk @!p0 [tilespmem:v0+s29+$0x60 ss:$0x1], $0xffff;
	[tilespmem:v1+s6+$0x10 ss:$0x1] =	vst.idx.msk @!p0 $0xffff, v3  }
0x9c: {  	v3 =	vld.idx.msk @!p0 [tilespmem:v0+s29+$0x70 ss:$0x1], $0xffff;
	[tilespmem:v1+s6+$0x20 ss:$0x1] =	vst.idx.msk @!p0 $0xffff, v4  }
.Ltmp11:
0x9d: {  	[tilespmem:v1+s6+$0x30 ss:$0x1] =	vst.idx.msk @!p0 $0xffff, v5;
	(pc) =	sbr.rel @p1 .LBB1_11-.Ltmp11, $4  }
0x9e: {  	[tilespmem:v1+s6+$0x40 ss:$0x1] =	vst.idx.msk @!p0 $0xffff, v6  }
0x9f: {  	[tilespmem:v1+s6+$0x50 ss:$0x1] =	vst.idx.msk @!p0 $0xffff, v7  }
0xa0: {  	[tilespmem:v1+s6+$0x60 ss:$0x1] =	vst.idx.msk @!p0 $0xffff, v2  }
0xa1: {  	[tilespmem:v1+s6+$0x70 ss:$0x1] =	vst.idx.msk @!p0 $0xffff, v3  }
0xa2: {  	s6 =	sshll.u32 s5, $0x7  }
0xa3: {  	s6 =	sand.u32 $0x180, s6  }
0xa4: {  	s6 =	sadd.s32 s6, s9  }
0xa5: {  	s29 =	sshll.u32 s5, $0x10;
	v2 =	vmov s6  }
0xa6: {  	s29 =	sshra.s32 s29, $0x2  }
0xa7: {  	s29 =	sadd.s32 s29, s4  }
0xa8: {  	v3 =	vmov s29;
	s29 =	smov.u32 s7  }
.LBB1_10:
0xa9: {  	s6 =	sand.u32 $0x70, s29;
	s29 =	sadd.s32 $0x10, s29  }
0xaa: {  	v4 =	vld.idx.msk [tilespmem:v2+s6+$0x0 ss:$0x1], $0xffff;
	p2 =	slt.s32 s29, s28  }
.Ltmp12:
0xab: {  	_ = 	snop;
	(pc) =	sbr.rel @p2 .LBB1_10-.Ltmp12, $2  }
0xac: {  	_ =	sdelay $0x2  }
0xad: {  	[tilespmem:v3+s6+$0x0 ss:$0x1] =	vst.idx.msk $0xffff, v4  }
.Ltmp13:
0xae: {  	_ = 	snop;
	(pc) =	sbr.rel .LBB1_11-.Ltmp13, $1  }
0xaf: {  	_ =	sdelay $0x3  }
.LBB1_16:
0xb0: {  	_ =	sfence.sel $0x180000  }
0xb1: {  	s0 =	simm.s32 $0x1;
	[bflag:$0x0] =	sbarrier.arrive $0xFFFF  }
0xb2: {  	s30 =	simm.s32 $0x2;
	[sflag:s0] =	ssyncpa.u1 $0x1  }
0xb3: {  	[sflag:s30] =	ssyncpa.u1 $0x1  }
0xb4: {  	_ =	strace $0x90000047  }
0xb5: {  	s31 =	stileid.u32;
	[bflag:$0x2] =	sbarrier.arrive $0xFFFF  }
0xb6: {  	p0 =	sne.s32 s31, $0x0;
	s0 =	rddreg [dreg:$0x2]  }
0xb7: {  	s0 =	sadd.s32 @!p0 $0x100000, s0  }
0xb8: {  	[sflag:s0] =	ssyncadd.tile.s32 @!p0 $0x1;
	_ =	shalt  }
.Lfunc_end1:
_tile_overlayer_lowered:
.L_overlay_start_2:
0xb9: {  	(tag) =	ssettag $0x2  }
0xba: {  	s0 =	rddreg [dreg:$0x0];
	s2 =	stileid.u32  }
0xbb: {  	s1 =	rddreg [dreg:$0x1];
	p0 =	sne.s32 s2, $0x0  }
0xbc: {  	s3 =	rddreg [dreg:$0x2];
	[bflag:$0x3] =	sbarrier.arrive $0xFFFF;
	s2 =	simm.s32 @!p0 $0x1C01  }
0xbd: {  	[timem:s3], [sflag:s2] =	dma.local @!p0 [hbm:s0], s1  }
0xbe: {  	s0 =	simm.s32 @!p0 $0x1  }
0xbf: {  	_ =	swait.ge @!p0 [sflag:s0], s1  }
0xc0: {  	s1 =	ssub.s32 @!p0 $0x0, s1;
	[sflag:s0] =	ssyncset.done @!p0 $0x0  }
0xc1: {  	[sflag:s0] =	ssyncadd.s32 @!p0 s1  }
0xc2: {  	[bflag:$0x3] =	sbarrier.arrive $0xFFFF  }
0xc3: {  	_ =	shalt  }

</sc_bundles>
